<compile_context>
chip_gen: v7x
topology: tpu7x:2x2x1
jax: 0.10.2.dev20260603
libtpu: 0.0.44.dev20260713+nightly
codegen_flags: <defaults>
</compile_context>

<pallas_src>
import jax
import jax.numpy as jnp
from jax.experimental import pallas as pl
from jax.experimental.pallas import tpu as pltpu
from jax.experimental.pallas import tpu_sc as plsc

B, S, D, DFF, E, K = 1, 2048, 768, 2048, 8, 2
N = B * S
NK = N * K
DH = D // 2
TILE = 256
PADDED = 6144
GRID_TILES = PADDED // TILE


def _sc_mesh():
    return plsc.VectorSubcoreMesh(core_axis_name="c", subcore_axis_name="s")


def _pack_bf16(a):
    ab = a.astype(jnp.bfloat16)
    hi = jax.lax.bitcast_convert_type(ab[:, :DH], jnp.uint16)
    lo = jax.lax.bitcast_convert_type(ab[:, DH:], jnp.uint16)
    word = (hi.astype(jnp.uint32) << 16) | lo.astype(jnp.uint32)
    return jax.lax.bitcast_convert_type(word, jnp.int32)


def _unpack_bf16(w):
    u = jax.lax.bitcast_convert_type(w, jnp.uint32)
    hi = jax.lax.bitcast_convert_type(
        (u >> 16).astype(jnp.uint16), jnp.bfloat16)
    lo = jax.lax.bitcast_convert_type(
        (u & 0xFFFF).astype(jnp.uint16), jnp.bfloat16)
    return jnp.concatenate([hi, lo], axis=1)


def _router_body(x_ref, wr_ref, pk_ref, g_ref, meta_ref, x32_ref):
    xf = x_ref[...]
    x32_ref[...] = _pack_bf16(xf)
    logits = jax.lax.dot_general(
        xf, wr_ref[...], (((1,), (1,)), ((), ())),
        preferred_element_type=jnp.float32,
        precision=jax.lax.Precision.DEFAULT)
    m = jnp.max(logits, axis=1, keepdims=True)
    p = jnp.exp(logits - m)
    probs = p / jnp.sum(p, axis=1, keepdims=True)

    lane = jax.lax.broadcasted_iota(jnp.int32, (N, E), 1)
    m1 = jnp.max(probs, axis=1, keepdims=True)
    i1 = jnp.min(jnp.where(probs == m1, lane, E), axis=1, keepdims=True)
    probs2 = jnp.where(lane == i1, -1.0, probs)
    m2 = jnp.max(probs2, axis=1, keepdims=True)
    i2 = jnp.min(jnp.where(probs2 == m2, lane, E), axis=1, keepdims=True)
    denom = m1 + m2 + 1e-9
    g_ref[...] = jnp.concatenate([m1 / denom, m2 / denom], axis=1)

    oh1 = (lane == i1).astype(jnp.float32)
    oh2 = (lane == i2).astype(jnp.float32)
    a_all = oh1 + oh2

    nch = N // 128
    a3 = a_all.reshape(nch, 128, E)
    r_i = jax.lax.broadcasted_iota(jnp.int32, (128, 128), 0)
    c_i = jax.lax.broadcasted_iota(jnp.int32, (128, 128), 1)
    lt128 = jnp.broadcast_to(
        ((r_i > c_i).astype(jnp.bfloat16))[None], (nch, 128, 128))
    intra = jax.lax.dot_general(
        lt128, a3.astype(jnp.bfloat16),
        (((2,), (1,)), ((0,), (0,))),
        preferred_element_type=jnp.float32)
    ct = jnp.sum(a3, axis=1)
    n_r = jax.lax.broadcasted_iota(jnp.int32, (nch, nch), 0)
    n_c = jax.lax.broadcasted_iota(jnp.int32, (nch, nch), 1)
    ltn = (n_r > n_c).astype(jnp.float32)
    off = jax.lax.dot_general(
        ltn, ct, (((1,), (0,)), ((), ())),
        preferred_element_type=jnp.float32,
        precision=jax.lax.Precision.HIGHEST)
    cum = (intra + off[:, None, :]).reshape(N, E)

    counts = jnp.sum(a_all, axis=0, keepdims=True)
    pc = jnp.ceil(counts * (1.0 / TILE)) * TILE
    e_r = jax.lax.broadcasted_iota(jnp.int32, (E, E), 0)
    e_c = jax.lax.broadcasted_iota(jnp.int32, (E, E), 1)
    up = (e_r < e_c).astype(jnp.float32)
    starts = jax.lax.dot_general(
        pc, up, (((1,), (0,)), ((), ())),
        preferred_element_type=jnp.float32,
        precision=jax.lax.Precision.HIGHEST)

    rank1 = jnp.sum(cum * oh1, axis=1, keepdims=True)
    rank2 = jnp.sum(cum * oh2, axis=1, keepdims=True)
    s1 = jnp.sum(starts * oh1, axis=1, keepdims=True)
    s2 = jnp.sum(starts * oh2, axis=1, keepdims=True)
    pk = jnp.concatenate([s1 + rank1, s2 + rank2], axis=1)
    pk_ref[...] = pk.astype(jnp.int32)

    ones_col = jnp.ones((N, 1), jnp.float32)
    counts_col = jax.lax.dot_general(
        a_all, ones_col, (((0,), (0,)), ((), ())),
        preferred_element_type=jnp.float32)
    pc_col = jnp.ceil(counts_col * (1.0 / TILE)) * TILE
    low = (e_r > e_c).astype(jnp.float32)
    starts_col = jax.lax.dot_general(
        low, pc_col, (((1,), (0,)), ((), ())),
        preferred_element_type=jnp.float32,
        precision=jax.lax.Precision.HIGHEST)
    total = jnp.sum(pc_col)

    tl = jax.lax.broadcasted_iota(jnp.int32, (E, 128), 1).astype(
        jnp.float32) * TILE
    s_cl = jnp.minimum(tl, total - TILE)
    te = jnp.sum((s_cl >= starts_col).astype(jnp.float32), axis=0,
                 keepdims=True) - 1.0
    active = (jax.lax.broadcasted_iota(jnp.int32, (1, 128), 1).astype(
        jnp.float32) * TILE < total).astype(jnp.int32)
    meta_ref[...] = jnp.concatenate([te.astype(jnp.int32), active], axis=0)


def _route(x_flat, Wr):
    return pl.pallas_call(
        _router_body,
        out_shape=(jax.ShapeDtypeStruct((N, K), jnp.int32),
                   jax.ShapeDtypeStruct((N, K), jnp.float32),
                   jax.ShapeDtypeStruct((2, 128), jnp.int32),
                   jax.ShapeDtypeStruct((N, DH), jnp.int32)),
        in_specs=[pl.BlockSpec((N, D), lambda: (0, 0)),
                  pl.BlockSpec((E, D), lambda: (0, 0))],
        out_specs=(pl.BlockSpec((N, K), lambda: (0, 0)),
                   pl.BlockSpec((N, K), lambda: (0, 0)),
                   pl.BlockSpec((2, 128), lambda: (0, 0)),
                   pl.BlockSpec((N, DH), lambda: (0, 0))),
    )(x_flat, Wr)


_DISP_W = 128


def _sc_dispatch(x32, t_row, p_row):
    @pl.kernel(
        out_type=jax.ShapeDtypeStruct((PADDED, DH), jnp.int32),
        mesh=_sc_mesh(),
        scratch_types=[pltpu.VMEM((_DISP_W, DH), jnp.int32)])
    def k(x_hbm, t_hbm, p_hbm, xs_hbm, buf):
        def body(t_vmem, p_vmem):
            pltpu.sync_copy(x_hbm.at[t_vmem.at[0]], buf)
            pltpu.sync_copy(buf, xs_hbm.at[p_vmem.at[0]])

        pltpu.emit_pipeline(
            body,
            grid=(NK // _DISP_W,),
            in_specs=[pl.BlockSpec((1, _DISP_W), lambda i: (0, i)),
                      pl.BlockSpec((1, _DISP_W), lambda i: (0, i))],
            out_specs=[],
            core_axis_name=("c", "s"),
            dimension_semantics=(pltpu.PARALLEL,),
        )(t_hbm, p_hbm)

    return k(x32, t_row, p_row)


def _ffn_body(meta_ref, xs_ref, w1_ref, b1_ref, w2_ref, b2_ref, out_ref):
    i = pl.program_id(0)

    @pl.when(meta_ref[1, i] == 1)
    def _():
        u = jax.lax.bitcast_convert_type(xs_ref[...], jnp.uint32)
        hi = jax.lax.bitcast_convert_type(
            (u >> 16).astype(jnp.uint16), jnp.bfloat16)
        lo = jax.lax.bitcast_convert_type(
            (u & 0xFFFF).astype(jnp.uint16), jnp.bfloat16)
        w1 = w1_ref[0].astype(jnp.bfloat16)
        dn = (((1,), (0,)), ((), ()))
        h = (jax.lax.dot_general(hi, w1[:DH], dn,
                                 preferred_element_type=jnp.float32)
             + jax.lax.dot_general(lo, w1[DH:], dn,
                                   preferred_element_type=jnp.float32))
        h = h + b1_ref[0]
        h = 0.5 * h * (1.0 + jax.lax.erf(h * 0.7071067811865476))
        w2 = w2_ref[0].astype(jnp.bfloat16)
        y = jax.lax.dot_general(
            h.astype(jnp.bfloat16), w2, dn,
            preferred_element_type=jnp.float32)
        y = y + b2_ref[0]
        yh = jax.lax.bitcast_convert_type(
            y[:, :DH].astype(jnp.bfloat16), jnp.uint16).astype(jnp.uint32)
        yl = jax.lax.bitcast_convert_type(
            y[:, DH:].astype(jnp.bfloat16), jnp.uint16).astype(jnp.uint32)
        out_ref[...] = jax.lax.bitcast_convert_type(
            (yh << 16) | yl, jnp.int32)


def _ffn(meta, xs32, W1, b1, W2, b2):
    grid_spec = pltpu.PrefetchScalarGridSpec(
        num_scalar_prefetch=1,
        grid=(GRID_TILES,),
        in_specs=[
            pl.BlockSpec((TILE, DH), lambda i, m: (i, 0)),
            pl.BlockSpec((1, D, DFF), lambda i, m: (m[0, i], 0, 0)),
            pl.BlockSpec((1, 1, DFF), lambda i, m: (m[0, i], 0, 0)),
            pl.BlockSpec((1, DFF, D), lambda i, m: (m[0, i], 0, 0)),
            pl.BlockSpec((1, 1, D), lambda i, m: (m[0, i], 0, 0)),
        ],
        out_specs=pl.BlockSpec((TILE, DH), lambda i, m: (i, 0)),
    )
    return pl.pallas_call(
        _ffn_body,
        grid_spec=grid_spec,
        out_shape=jax.ShapeDtypeStruct((PADDED, DH), jnp.int32),
        compiler_params=pltpu.CompilerParams(
            dimension_semantics=("arbitrary",)),
    )(meta, xs32, W1, b1.reshape(E, 1, DFF), W2, b2.reshape(E, 1, D))


_GATH_W = 128


def _sc_gather(src, idx_row, n_out, bound):
    @pl.kernel(
        out_type=jax.ShapeDtypeStruct((n_out, src.shape[1]), src.dtype),
        mesh=_sc_mesh(),
        scratch_types=[pltpu.VMEM((1, _GATH_W), jnp.int32)])
    def k(x_hbm, i_hbm, o_hbm, idx_scr):
        def body(i_vmem, o_vmem):
            @pl.loop(0, _GATH_W, step=16)
            def _(c):
                sl = (slice(0, 1), pl.ds(c, 16))
                v = i_vmem.at[sl][...]
                idx_scr.at[sl][...] = jnp.minimum(jnp.maximum(v, 0), bound)

            pltpu.sync_copy(x_hbm.at[idx_scr.at[0]], o_vmem)

        pltpu.emit_pipeline(
            body,
            grid=(n_out // _GATH_W,),
            in_specs=[pl.BlockSpec((1, _GATH_W), lambda i: (0, i))],
            out_specs=[pl.BlockSpec((_GATH_W, src.shape[1]),
                                    lambda i: (i, 0))],
            core_axis_name=("c", "s"),
            dimension_semantics=(pltpu.PARALLEL,),
        )(i_hbm, o_hbm)

    return k(src, idx_row)


_ADD_T = 256


def _add_body(g_ref, a_ref, b_ref, o_ref):
    ua = jax.lax.bitcast_convert_type(a_ref[...], jnp.uint32)
    ub = jax.lax.bitcast_convert_type(b_ref[...], jnp.uint32)
    g1 = g_ref[:, :1]
    g2 = g_ref[:, 1:2]

    def half(sh, mask):
        ah = jax.lax.bitcast_convert_type(
            ((ua >> sh) & mask).astype(jnp.uint16), jnp.bfloat16)
        bh = jax.lax.bitcast_convert_type(
            ((ub >> sh) & mask).astype(jnp.uint16), jnp.bfloat16)
        return g1 * ah.astype(jnp.float32) + g2 * bh.astype(jnp.float32)

    o_ref[:, :DH] = half(16, 0xFFFF)
    o_ref[:, DH:] = half(0, 0xFFFF)


def _pair_add(g2, yg32):
    nt = N // _ADD_T
    return pl.pallas_call(
        _add_body,
        grid=(nt,),
        out_shape=jax.ShapeDtypeStruct((N, D), jnp.float32),
        in_specs=[pl.BlockSpec((_ADD_T, K), lambda i: (i, 0)),
                  pl.BlockSpec((_ADD_T, DH), lambda i: (i, 0)),
                  pl.BlockSpec((_ADD_T, DH), lambda i: (i + nt, 0))],
        out_specs=pl.BlockSpec((_ADD_T, D), lambda i: (i, 0)),
    )(g2, yg32, yg32)


@jax.jit
def kernel(x, Wr, W1, b1, W2, b2):
    x_flat = x.reshape(N, D)
    pk, g2, meta, x32 = _route(x_flat, Wr)

    t_row = (jnp.arange(NK, dtype=jnp.int32) // K).reshape(1, NK)
    p_row = pk.reshape(1, NK)
    xs32 = _sc_dispatch(x32, t_row, p_row)
    ys32 = _ffn(meta, xs32, W1, b1, W2, b2)

    p_cat = jnp.concatenate([pk[:, 0], pk[:, 1]]).reshape(1, NK)
    yg32 = _sc_gather(ys32, p_cat, NK, PADDED - 1)
    out = _pair_add(g2, yg32)
    return out.reshape(B, S, D)

# --- scband reference (transcript-rebuilt; emitter-appended) ---
"""Pipeline reference for scband-mo-efeed-forward-29892972380613 (READ-ONLY COPY).

The authoritative reference and input builder live on the scoring server;
editing this copy changes nothing except your own understanding.
"""

import jax, jax.numpy as jnp
import numpy as np

B, S, D, DFF, E, K = 1, 2048, 768, 2048, 8, 2

def setup_inputs(seed: int = 0) -> dict:
    key = jax.random.key(seed)
    ks = jax.random.split(key, 6)
    x = jax.random.normal(ks[0], (B, S, D), dtype=jnp.float32)
    # Router linear (no bias): weight shape (E, D), xavier-uniform style scale
    Wr = jax.random.uniform(ks[1], (E, D), jnp.float32, -1.0, 1.0) * np.sqrt(6.0 / (D + E))
    # Per-expert FFN params (stacked over experts)
    W1 = jax.random.uniform(ks[2], (E, D, DFF), jnp.float32, -1.0, 1.0) * np.sqrt(6.0 / (D + DFF))
    b1 = jnp.zeros((E, DFF), jnp.float32)
    W2 = jax.random.uniform(ks[3], (E, DFF, D), jnp.float32, -1.0, 1.0) * np.sqrt(6.0 / (DFF + D))
    b2 = jnp.zeros((E, D), jnp.float32)
    return {"x": x, "Wr": Wr, "W1": W1, "b1": b1, "W2": W2, "b2": b2}

def reference(x, Wr, W1, b1, W2, b2):
    # eval mode: dropout inactive, jitter_noise inactive
    Bx, Sx, Dx = x.shape
    x_flat = x.reshape(-1, Dx)
    N = x_flat.shape[0]
    # Router
    router_logits = x_flat @ Wr.T                      # (N, E)
    router_probs = jax.nn.softmax(router_logits, axis=-1)
    top_k_probs, top_k_indices = jax.lax.top_k(router_probs, K)   # (N, K)
    top_k_gates = top_k_probs / (jnp.sum(top_k_probs, axis=-1, keepdims=True) + 1e-09)
    # Dense combine weights: zero for non-selected experts (mathematically identical
    # to the torch gather/scatter expert loop, since unselected experts get gate 0)
    gates_full = jnp.zeros((N, E), jnp.float32).at[jnp.arange(N)[:, None], top_k_indices].add(top_k_gates)
    # Expert FFN: Linear -> GELU(exact, matching torch nn.GELU default) -> Linear
    h = jnp.einsum('nd,edf->enf', x_flat, W1) + b1[:, None, :]
    h = jax.nn.gelu(h, approximate=False)
    y = jnp.einsum('enf,efd->end', h, W2) + b2[:, None, :]
    out = jnp.einsum('end,ne->nd', y, gates_full)
    return out.reshape(Bx, Sx, Dx)

if __name__ == "__main__":
    import jax
    _d = setup_inputs()
    print(jax.jit(kernel)(*tuple(_d.values())))

</pallas_src>

<mosaic_0001>
#map = affine_map<(d0, d1) -> (0, 0)>
module attributes {stable_mosaic.version = 14 : i64} {
  func.func @k(%arg0: i32, %arg1: i32, %arg2: memref<2048x384xi32, #tpu.memory_space<hbm>>, %arg3: memref<1x4096xi32, #tpu.memory_space<hbm>>, %arg4: memref<1x4096xi32, #tpu.memory_space<hbm>>, %arg5: memref<6144x384xi32, #tpu.memory_space<hbm>>, %arg6: memref<128x384xi32, #tpu.memory_space<vmem>>) attributes {dimension_semantics = [#tpu.dimension_semantics<core_parallel>, #tpu.dimension_semantics<subcore_parallel>], iteration_bounds = array<i64: 2, 16>, scalar_prefetch = 0 : i64, scratch_operands = 1 : i64, tpu.core_type = #tpu.core_type<sc_vector_subcore>, window_params = [{transform_indices = #map}, {transform_indices = #map}, {transform_indices = #map}, {transform_indices = #map}]} {
    %mul3A = arith.constant 1 : i32
    %mul3A_0 = arith.muli %arg1, %mul3A : i32
    %add3A = arith.constant 0 : i32
    %add3A_1 = arith.addi %add3A, %mul3A_0 : i32
    %mul3A_2 = arith.constant 16 : i32
    %mul3A_3 = arith.muli %arg0, %mul3A_2 : i32
    %add3A_4 = arith.addi %add3A_1, %mul3A_3 : i32
    %mul3A_5 = arith.constant 1 : i32
    %mul3A_6 = arith.muli %add3A_4, %mul3A_5 : i32
    "tpu.region"() ({
      %run_scoped3A = memref.alloca() : memref<2x1x128xi32, #tpu.memory_space<vmem>>
      %run_scoped3A_7 = tpu.sem_alloc : memref<2x!tpu.dma_semaphore, #tpu.memory_space<semaphore_mem>>
      %run_scoped3A_8 = memref.alloca() : memref<2x1x128xi32, #tpu.memory_space<vmem>>
      %run_scoped3A_9 = tpu.sem_alloc : memref<2x!tpu.dma_semaphore, #tpu.memory_space<semaphore_mem>>
      %add3A_10 = arith.constant 0 : i32
      %add3A_11 = arith.addi %add3A_10, %mul3A_6 : i32
      %select_n3A = arith.constant true
      %select_n3A_12 = arith.constant 0 : i32
      %select_n3A_13 = arith.constant -1 : i32
      %select_n3A_14 = arith.select %select_n3A, %select_n3A_13, %select_n3A_12 : i32
      %eq3A = arith.constant -1 : i32
      %eq3A_15 = arith.cmpi eq, %select_n3A_14, %eq3A : i32
      %select_n3A_16 = arith.constant 0 : i32
      %select_n3A_17 = arith.select %eq3A_15, %select_n3A_16, %select_n3A_14 : i32
      %add3A_18 = arith.constant 0 : i32
      %add3A_19 = arith.addi %add3A_18, %mul3A_6 : i32
      %select_n3A_20 = arith.constant true
      %select_n3A_21 = arith.constant 0 : i32
      %select_n3A_22 = arith.constant 1 : i32
      %select_n3A_23 = arith.select %select_n3A_20, %select_n3A_22, %select_n3A_21 : i32
      %eq3A_24 = arith.constant 1 : i32
      %eq3A_25 = arith.cmpi eq, %select_n3A_23, %eq3A_24 : i32
      %select_n3A_26 = arith.constant 0 : i32
      %select_n3A_27 = arith.select %eq3A_25, %select_n3A_26, %select_n3A_23 : i32
      %add3A_28 = arith.constant 0 : i32
      %add3A_29 = arith.addi %add3A_28, %mul3A_6 : i32
      %select_n3A_30 = arith.constant true
      %select_n3A_31 = arith.constant 0 : i32
      %select_n3A_32 = arith.constant 1 : i32
      %select_n3A_33 = arith.select %select_n3A_30, %select_n3A_32, %select_n3A_31 : i32
      %eq3A_34 = arith.constant 1 : i32
      %eq3A_35 = arith.cmpi eq, %select_n3A_33, %eq3A_34 : i32
      %select_n3A_36 = arith.constant 0 : i32
      %select_n3A_37 = arith.select %eq3A_35, %select_n3A_36, %select_n3A_33 : i32
      %add3A_38 = arith.constant 0 : i32
      %add3A_39 = arith.addi %add3A_38, %mul3A_6 : i32
      "tpu.trace_start"() <{level = 10 : i32, message = "ep_initialize_0"}> : () -> ()
      %rem3A = arith.constant 0 : i32
      %rem3A_40 = arith.constant 2 : i32
      %rem3A_41 = arith.remui %rem3A, %rem3A_40 : i32
      %mul3A_42 = arith.constant 128 : i32
      %mul3A_43 = arith.muli %mul3A_42, %add3A_11 : i32
      %dma_start3A = arith.constant 0 : i32
      %dma_start3A_44 = arith.constant 0 : i32
      %dma_start3A_45 = tpu.memref_slice %run_scoped3A[%rem3A_41, %dma_start3A, %dma_start3A_44] : memref<2x1x128xi32, #tpu.memory_space<vmem>> -> memref<1x1x128xi32, #tpu.memory_space<vmem>>
      %dma_start3A_46 = tpu.memref_squeeze %dma_start3A_45 : memref<1x1x128xi32, #tpu.memory_space<vmem>> -> memref<1x128xi32, #tpu.memory_space<vmem>>
      %dma_start3A_47 = arith.constant 0 : i32
      %dma_start3A_48 = tpu.memref_slice %arg3[%dma_start3A_47, %mul3A_43] : memref<1x4096xi32, #tpu.memory_space<hbm>> -> memref<1x128xi32, #tpu.memory_space<hbm>>
      %dma_start3A_49 = tpu.memref_slice %run_scoped3A_7[%rem3A_41] : memref<2x!tpu.dma_semaphore, #tpu.memory_space<semaphore_mem>> -> memref<1x!tpu.dma_semaphore, #tpu.memory_space<semaphore_mem>>
      %dma_start3A_50 = tpu.memref_squeeze %dma_start3A_49 : memref<1x!tpu.dma_semaphore, #tpu.memory_space<semaphore_mem>> -> memref<!tpu.dma_semaphore, #tpu.memory_space<semaphore_mem>>
      %dma_start3A_51 = arith.constant 0 : i32
      %dma_start3A_52 = arith.constant 0 : i32
      %dma_start3A_53 = tpu.memref_slice %run_scoped3A[%rem3A_41, %dma_start3A_51, %dma_start3A_52] : memref<2x1x128xi32, #tpu.memory_space<vmem>> -> memref<1x1x128xi32, #tpu.memory_space<vmem>>
      %dma_start3A_54 = tpu.memref_squeeze %dma_start3A_53 : memref<1x1x128xi32, #tpu.memory_space<vmem>> -> memref<1x128xi32, #tpu.memory_space<vmem>>
      %dma_start3A_55 = arith.constant 0 : i32
      %dma_start3A_56 = tpu.memref_slice %arg3[%dma_start3A_55, %mul3A_43] : memref<1x4096xi32, #tpu.memory_space<hbm>> -> memref<1x128xi32, #tpu.memory_space<hbm>>
      tpu.enqueue_dma source(%dma_start3A_56 : memref<1x128xi32, #tpu.memory_space<hbm>>) target(%dma_start3A_54 : memref<1x128xi32, #tpu.memory_space<vmem>>) target_semaphore(%dma_start3A_50 : memref<!tpu.dma_semaphore, #tpu.memory_space<semaphore_mem>>)
      %add3A_57 = arith.constant 0 : i32
      %add3A_58 = arith.constant 1 : i32
      %add3A_59 = arith.addi %add3A_57, %add3A_58 : i32
      %select_n3A_60 = arith.constant true
      %select_n3A_61 = arith.constant 0 : i32
      %select_n3A_62 = arith.select %select_n3A_60, %add3A_59, %select_n3A_61 : i32
      %rem3A_63 = arith.constant 0 : i32
      %rem3A_64 = arith.constant 2 : i32
      %rem3A_65 = arith.remui %rem3A_63, %rem3A_64 : i32
      %mul3A_66 = arith.constant 128 : i32
      %mul3A_67 = arith.muli %mul3A_66, %add3A_11 : i32
      %dma_start3A_68 = arith.constant 0 : i32
      %dma_start3A_69 = arith.constant 0 : i32
      %dma_start3A_70 = tpu.memref_slice %run_scoped3A_8[%rem3A_65, %dma_start3A_68, %dma_start3A_69] : memref<2x1x128xi32, #tpu.memory_space<vmem>> -> memref<1x1x128xi32, #tpu.memory_space<vmem>>
      %dma_start3A_71 = tpu.memref_squeeze %dma_start3A_70 : memref<1x1x128xi32, #tpu.memory_space<vmem>> -> memref<1x128xi32, #tpu.memory_space<vmem>>
      %dma_start3A_72 = arith.constant 0 : i32
      %dma_start3A_73 = tpu.memref_slice %arg4[%dma_start3A_72, %mul3A_67] : memref<1x4096xi32, #tpu.memory_space<hbm>> -> memref<1x128xi32, #tpu.memory_space<hbm>>
      %dma_start3A_74 = tpu.memref_slice %run_scoped3A_9[%rem3A_65] : memref<2x!tpu.dma_semaphore, #tpu.memory_space<semaphore_mem>> -> memref<1x!tpu.dma_semaphore, #tpu.memory_space<semaphore_mem>>
      %dma_start3A_75 = tpu.memref_squeeze %dma_start3A_74 : memref<1x!tpu.dma_semaphore, #tpu.memory_space<semaphore_mem>> -> memref<!tpu.dma_semaphore, #tpu.memory_space<semaphore_mem>>
      %dma_start3A_76 = arith.constant 0 : i32
      %dma_start3A_77 = arith.constant 0 : i32
      %dma_start3A_78 = tpu.memref_slice %run_scoped3A_8[%rem3A_65, %dma_start3A_76, %dma_start3A_77] : memref<2x1x128xi32, #tpu.memory_space<vmem>> -> memref<1x1x128xi32, #tpu.memory_space<vmem>>
      %dma_start3A_79 = tpu.memref_squeeze %dma_start3A_78 : memref<1x1x128xi32, #tpu.memory_space<vmem>> -> memref<1x128xi32, #tpu.memory_space<vmem>>
      %dma_start3A_80 = arith.constant 0 : i32
      %dma_start3A_81 = tpu.memref_slice %arg4[%dma_start3A_80, %mul3A_67] : memref<1x4096xi32, #tpu.memory_space<hbm>> -> memref<1x128xi32, #tpu.memory_space<hbm>>
      tpu.enqueue_dma source(%dma_start3A_81 : memref<1x128xi32, #tpu.memory_space<hbm>>) target(%dma_start3A_79 : memref<1x128xi32, #tpu.memory_space<vmem>>) target_semaphore(%dma_start3A_75 : memref<!tpu.dma_semaphore, #tpu.memory_space<semaphore_mem>>)
      %add3A_82 = arith.constant 0 : i32
      %add3A_83 = arith.constant 1 : i32
      %add3A_84 = arith.addi %add3A_82, %add3A_83 : i32
      %select_n3A_85 = arith.constant true
      %select_n3A_86 = arith.constant 0 : i32
      %select_n3A_87 = arith.select %select_n3A_85, %add3A_84, %select_n3A_86 : i32
      "tpu.trace_stop"() : () -> ()
      %scan3A = arith.constant 0 : i32
      %scan3A_88 = arith.constant 0 : i32
      %scan3A_89 = arith.constant 0 : i32
      %scan3A_90 = arith.constant 0 : i32
      %eq3A_91 = arith.constant 0 : i32
      %eq3A_92 = arith.cmpi eq, %scan3A_90, %eq3A_91 : i32
      %eq3A_93 = arith.constant 0 : i32
      %eq3A_94 = arith.cmpi eq, %scan3A_90, %eq3A_93 : i32
      %add3A_95 = arith.constant 0 : i32
      %add3A_96 = arith.addi %add3A_95, %mul3A_6 : i32
      %select_n3A_97 = arith.constant true
      %select_n3A_98 = arith.constant 0 : i32
      %select_n3A_99 = arith.constant -1 : i32
      %select_n3A_100 = arith.select %select_n3A_97, %select_n3A_99, %select_n3A_98 : i32
      %eq3A_101 = arith.constant -1 : i32
      %eq3A_102 = arith.cmpi eq, %select_n3A_100, %eq3A_101 : i32
      %select_n3A_103 = arith.constant 0 : i32
      %select_n3A_104 = arith.select %eq3A_102, %select_n3A_103, %select_n3A_100 : i32
      %add3A_105 = arith.constant 0 : i32
      %add3A_106 = arith.addi %add3A_105, %mul3A_6 : i32
      %select_n3A_107 = arith.constant true
      %select_n3A_108 = arith.constant 0 : i32
      %select_n3A_109 = arith.constant 1 : i32
      %select_n3A_110 = arith.select %select_n3A_107, %select_n3A_109, %select_n3A_108 : i32
      %eq3A_111 = arith.constant 1 : i32
      %eq3A_112 = arith.cmpi eq, %select_n3A_110, %eq3A_111 : i32
      %select_n3A_113 = arith.constant 0 : i32
      %select_n3A_114 = arith.select %eq3A_112, %select_n3A_113, %select_n3A_110 : i32
      %add3A_115 = arith.constant 0 : i32
      %add3A_116 = arith.addi %add3A_115, %mul3A_6 : i32
      %select_n3A_117 = arith.constant true
      %select_n3A_118 = arith.constant 0 : i32
      %select_n3A_119 = arith.constant 1 : i32
      %select_n3A_120 = arith.select %select_n3A_117, %select_n3A_119, %select_n3A_118 : i32
      %eq3A_121 = arith.constant 1 : i32
      %eq3A_122 = arith.cmpi eq, %select_n3A_120, %eq3A_121 : i32
      %select_n3A_123 = arith.constant 0 : i32
      %select_n3A_124 = arith.select %eq3A_122, %select_n3A_123, %select_n3A_120 : i32
      %add3A_125 = arith.constant 0 : i32
      %add3A_126 = arith.addi %add3A_125, %mul3A_6 : i32
      %ne3A = arith.cmpi ne, %add3A_96, %add3A_116 : i32
      %or3A = arith.constant false
      %or3A_127 = arith.ori %or3A, %ne3A : i1
      %ge3A = arith.constant 0 : i32
      %ge3A_128 = arith.cmpi sge, %scan3A_90, %ge3A : i32
      %not3A = arith.constant true
      %not3A_129 = arith.xori %ge3A_128, %not3A : i1
      %and3A = arith.andi %or3A_127, %not3A_129 : i1
      %convert_element_type3A = arith.extui %and3A : i1 to i32
      %cond3A = arith.constant 0 : i32
      %cond3A_130 = arith.cmpi ne, %convert_element_type3A, %cond3A : i32
      scf.if %cond3A_130 {
        "tpu.trace_start"() <{level = 10 : i32, message = "ep_copy_in"}> : () -> ()
        %rem3A_275 = arith.constant 2 : i32
        %rem3A_276 = arith.remui %select_n3A_62, %rem3A_275 : i32
        %mul3A_277 = arith.constant 128 : i32
        %mul3A_278 = arith.muli %mul3A_277, %add3A_116 : i32
        %dma_start3A_279 = arith.constant 0 : i32
        %dma_start3A_280 = arith.constant 0 : i32
        %dma_start3A_281 = tpu.memref_slice %run_scoped3A[%rem3A_276, %dma_start3A_279, %dma_start3A_280] : memref<2x1x128xi32, #tpu.memory_space<vmem>> -> memref<1x1x128xi32, #tpu.memory_space<vmem>>
        %dma_start3A_282 = tpu.memref_squeeze %dma_start3A_281 : memref<1x1x128xi32, #tpu.memory_space<vmem>> -> memref<1x128xi32, #tpu.memory_space<vmem>>
        %dma_start3A_283 = arith.constant 0 : i32
        %dma_start3A_284 = tpu.memref_slice %arg3[%dma_start3A_283, %mul3A_278] : memref<1x4096xi32, #tpu.memory_space<hbm>> -> memref<1x128xi32, #tpu.memory_space<hbm>>
        %dma_start3A_285 = tpu.memref_slice %run_scoped3A_7[%rem3A_276] : memref<2x!tpu.dma_semaphore, #tpu.memory_space<semaphore_mem>> -> memref<1x!tpu.dma_semaphore, #tpu.memory_space<semaphore_mem>>
        %dma_start3A_286 = tpu.memref_squeeze %dma_start3A_285 : memref<1x!tpu.dma_semaphore, #tpu.memory_space<semaphore_mem>> -> memref<!tpu.dma_semaphore, #tpu.memory_space<semaphore_mem>>
        %dma_start3A_287 = arith.constant 0 : i32
        %dma_start3A_288 = arith.constant 0 : i32
        %dma_start3A_289 = tpu.memref_slice %run_scoped3A[%rem3A_276, %dma_start3A_287, %dma_start3A_288] : memref<2x1x128xi32, #tpu.memory_space<vmem>> -> memref<1x1x128xi32, #tpu.memory_space<vmem>>
        %dma_start3A_290 = tpu.memref_squeeze %dma_start3A_289 : memref<1x1x128xi32, #tpu.memory_space<vmem>> -> memref<1x128xi32, #tpu.memory_space<vmem>>
        %dma_start3A_291 = arith.constant 0 : i32
        %dma_start3A_292 = tpu.memref_slice %arg3[%dma_start3A_291, %mul3A_278] : memref<1x4096xi32, #tpu.memory_space<hbm>> -> memref<1x128xi32, #tpu.memory_space<hbm>>
        tpu.enqueue_dma source(%dma_start3A_292 : memref<1x128xi32, #tpu.memory_space<hbm>>) target(%dma_start3A_290 : memref<1x128xi32, #tpu.memory_space<vmem>>) target_semaphore(%dma_start3A_286 : memref<!tpu.dma_semaphore, #tpu.memory_space<semaphore_mem>>)
        "tpu.trace_stop"() : () -> ()
      } else {
      }
      %and3A_131 = arith.constant true
      %and3A_132 = arith.andi %and3A, %and3A_131 : i1
      %add3A_133 = arith.constant 1 : i32
      %add3A_134 = arith.addi %select_n3A_62, %add3A_133 : i32
      %select_n3A_135 = arith.select %and3A_132, %add3A_134, %select_n3A_62 : i32
      %ne3A_136 = arith.cmpi ne, %add3A_96, %add3A_116 : i32
      %or3A_137 = arith.constant false
      %or3A_138 = arith.ori %or3A_137, %ne3A_136 : i1
      %ge3A_139 = arith.constant 0 : i32
      %ge3A_140 = arith.cmpi sge, %scan3A_90, %ge3A_139 : i32
      %not3A_141 = arith.constant true
      %not3A_142 = arith.xori %ge3A_140, %not3A_141 : i1
      %and3A_143 = arith.andi %or3A_138, %not3A_142 : i1
      %convert_element_type3A_144 = arith.extui %and3A_143 : i1 to i32
      %cond3A_145 = arith.constant 0 : i32
      %cond3A_146 = arith.cmpi ne, %convert_element_type3A_144, %cond3A_145 : i32
      scf.if %cond3A_146 {
        "tpu.trace_start"() <{level = 10 : i32, message = "ep_copy_in"}> : () -> ()
        %rem3A_275 = arith.constant 2 : i32
        %rem3A_276 = arith.remui %select_n3A_87, %rem3A_275 : i32
        %mul3A_277 = arith.constant 128 : i32
        %mul3A_278 = arith.muli %mul3A_277, %add3A_116 : i32
        %dma_start3A_279 = arith.constant 0 : i32
        %dma_start3A_280 = arith.constant 0 : i32
        %dma_start3A_281 = tpu.memref_slice %run_scoped3A_8[%rem3A_276, %dma_start3A_279, %dma_start3A_280] : memref<2x1x128xi32, #tpu.memory_space<vmem>> -> memref<1x1x128xi32, #tpu.memory_space<vmem>>
        %dma_start3A_282 = tpu.memref_squeeze %dma_start3A_281 : memref<1x1x128xi32, #tpu.memory_space<vmem>> -> memref<1x128xi32, #tpu.memory_space<vmem>>
        %dma_start3A_283 = arith.constant 0 : i32
        %dma_start3A_284 = tpu.memref_slice %arg4[%dma_start3A_283, %mul3A_278] : memref<1x4096xi32, #tpu.memory_space<hbm>> -> memref<1x128xi32, #tpu.memory_space<hbm>>
        %dma_start3A_285 = tpu.memref_slice %run_scoped3A_9[%rem3A_276] : memref<2x!tpu.dma_semaphore, #tpu.memory_space<semaphore_mem>> -> memref<1x!tpu.dma_semaphore, #tpu.memory_space<semaphore_mem>>
        %dma_start3A_286 = tpu.memref_squeeze %dma_start3A_285 : memref<1x!tpu.dma_semaphore, #tpu.memory_space<semaphore_mem>> -> memref<!tpu.dma_semaphore, #tpu.memory_space<semaphore_mem>>
        %dma_start3A_287 = arith.constant 0 : i32
        %dma_start3A_288 = arith.constant 0 : i32
        %dma_start3A_289 = tpu.memref_slice %run_scoped3A_8[%rem3A_276, %dma_start3A_287, %dma_start3A_288] : memref<2x1x128xi32, #tpu.memory_space<vmem>> -> memref<1x1x128xi32, #tpu.memory_space<vmem>>
        %dma_start3A_290 = tpu.memref_squeeze %dma_start3A_289 : memref<1x1x128xi32, #tpu.memory_space<vmem>> -> memref<1x128xi32, #tpu.memory_space<vmem>>
        %dma_start3A_291 = arith.constant 0 : i32
        %dma_start3A_292 = tpu.memref_slice %arg4[%dma_start3A_291, %mul3A_278] : memref<1x4096xi32, #tpu.memory_space<hbm>> -> memref<1x128xi32, #tpu.memory_space<hbm>>
        tpu.enqueue_dma source(%dma_start3A_292 : memref<1x128xi32, #tpu.memory_space<hbm>>) target(%dma_start3A_290 : memref<1x128xi32, #tpu.memory_space<vmem>>) target_semaphore(%dma_start3A_286 : memref<!tpu.dma_semaphore, #tpu.memory_space<semaphore_mem>>)
        "tpu.trace_stop"() : () -> ()
      } else {
      }
      %and3A_147 = arith.constant true
      %and3A_148 = arith.andi %and3A_143, %and3A_147 : i1
      %add3A_149 = arith.constant 1 : i32
      %add3A_150 = arith.addi %select_n3A_87, %add3A_149 : i32
      %select_n3A_151 = arith.select %and3A_148, %add3A_150, %select_n3A_87 : i32
      %ne3A_152 = arith.cmpi ne, %add3A_96, %add3A_106 : i32
      %or3A_153 = arith.constant false
      %or3A_154 = arith.ori %or3A_153, %ne3A_152 : i1
      %or3A_155 = arith.ori %or3A_154, %eq3A_92 : i1
      %convert_element_type3A_156 = arith.extui %or3A_155 : i1 to i32
      %cond3A_157 = arith.constant 0 : i32
      %cond3A_158 = arith.cmpi ne, %convert_element_type3A_156, %cond3A_157 : i32
      scf.if %cond3A_158 {
        "tpu.trace_start"() <{level = 10 : i32, message = "ep_wait_in"}> : () -> ()
        %mul3A_275 = arith.constant 128 : i32
        %mul3A_276 = arith.muli %mul3A_275, %add3A_96 : i32
        %rem3A_277 = arith.constant 2 : i32
        %rem3A_278 = arith.remui %scan3A, %rem3A_277 : i32
        %dma_wait3A = arith.constant 0 : i32
        %dma_wait3A_279 = arith.constant 0 : i32
        %dma_wait3A_280 = tpu.memref_slice %run_scoped3A[%rem3A_278, %dma_wait3A, %dma_wait3A_279] : memref<2x1x128xi32, #tpu.memory_space<vmem>> -> memref<1x1x128xi32, #tpu.memory_space<vmem>>
        %dma_wait3A_281 = tpu.memref_squeeze %dma_wait3A_280 : memref<1x1x128xi32, #tpu.memory_space<vmem>> -> memref<1x128xi32, #tpu.memory_space<vmem>>
        %dma_wait3A_282 = arith.constant 0 : i32
        %dma_wait3A_283 = tpu.memref_slice %arg3[%dma_wait3A_282, %mul3A_276] : memref<1x4096xi32, #tpu.memory_space<hbm>> -> memref<1x128xi32, #tpu.memory_space<hbm>>
        %dma_wait3A_284 = tpu.memref_slice %run_scoped3A_7[%rem3A_278] : memref<2x!tpu.dma_semaphore, #tpu.memory_space<semaphore_mem>> -> memref<1x!tpu.dma_semaphore, #tpu.memory_space<semaphore_mem>>
        %dma_wait3A_285 = tpu.memref_squeeze %dma_wait3A_284 : memref<1x!tpu.dma_semaphore, #tpu.memory_space<semaphore_mem>> -> memref<!tpu.dma_semaphore, #tpu.memory_space<semaphore_mem>>
        %dma_wait3A_286 = arith.constant 0 : i32
        %dma_wait3A_287 = arith.constant 0 : i32
        %dma_wait3A_288 = tpu.memref_slice %run_scoped3A[%rem3A_278, %dma_wait3A_286, %dma_wait3A_287] : memref<2x1x128xi32, #tpu.memory_space<vmem>> -> memref<1x1x128xi32, #tpu.memory_space<vmem>>
        %dma_wait3A_289 = tpu.memref_squeeze %dma_wait3A_288 : memref<1x1x128xi32, #tpu.memory_space<vmem>> -> memref<1x128xi32, #tpu.memory_space<vmem>>
        %dma_wait3A_290 = arith.constant 0 : i32
        %dma_wait3A_291 = tpu.memref_slice %arg3[%dma_wait3A_290, %mul3A_276] : memref<1x4096xi32, #tpu.memory_space<hbm>> -> memref<1x128xi32, #tpu.memory_space<hbm>>
        tpu.wait_dma2 semaphore(%dma_wait3A_285 : memref<!tpu.dma_semaphore, #tpu.memory_space<semaphore_mem>>) src(%dma_wait3A_291 : memref<1x128xi32, #tpu.memory_space<hbm>>) dst(%dma_wait3A_289 : memref<1x128xi32, #tpu.memory_space<vmem>>)
        "tpu.trace_stop"() : () -> ()
      } else {
      }
      %ne3A_159 = arith.cmpi ne, %add3A_96, %add3A_106 : i32
      %or3A_160 = arith.constant false
      %or3A_161 = arith.ori %or3A_160, %ne3A_159 : i1
      %or3A_162 = arith.ori %or3A_161, %eq3A_92 : i1
      %convert_element_type3A_163 = arith.extui %or3A_162 : i1 to i32
      %cond3A_164 = arith.constant 0 : i32
      %cond3A_165 = arith.cmpi ne, %convert_element_type3A_163, %cond3A_164 : i32
      scf.if %cond3A_165 {
        "tpu.trace_start"() <{level = 10 : i32, message = "ep_wait_in"}> : () -> ()
        %mul3A_275 = arith.constant 128 : i32
        %mul3A_276 = arith.muli %mul3A_275, %add3A_96 : i32
        %rem3A_277 = arith.constant 2 : i32
        %rem3A_278 = arith.remui %scan3A_88, %rem3A_277 : i32
        %dma_wait3A = arith.constant 0 : i32
        %dma_wait3A_279 = arith.constant 0 : i32
        %dma_wait3A_280 = tpu.memref_slice %run_scoped3A_8[%rem3A_278, %dma_wait3A, %dma_wait3A_279] : memref<2x1x128xi32, #tpu.memory_space<vmem>> -> memref<1x1x128xi32, #tpu.memory_space<vmem>>
        %dma_wait3A_281 = tpu.memref_squeeze %dma_wait3A_280 : memref<1x1x128xi32, #tpu.memory_space<vmem>> -> memref<1x128xi32, #tpu.memory_space<vmem>>
        %dma_wait3A_282 = arith.constant 0 : i32
        %dma_wait3A_283 = tpu.memref_slice %arg4[%dma_wait3A_282, %mul3A_276] : memref<1x4096xi32, #tpu.memory_space<hbm>> -> memref<1x128xi32, #tpu.memory_space<hbm>>
        %dma_wait3A_284 = tpu.memref_slice %run_scoped3A_9[%rem3A_278] : memref<2x!tpu.dma_semaphore, #tpu.memory_space<semaphore_mem>> -> memref<1x!tpu.dma_semaphore, #tpu.memory_space<semaphore_mem>>
        %dma_wait3A_285 = tpu.memref_squeeze %dma_wait3A_284 : memref<1x!tpu.dma_semaphore, #tpu.memory_space<semaphore_mem>> -> memref<!tpu.dma_semaphore, #tpu.memory_space<semaphore_mem>>
        %dma_wait3A_286 = arith.constant 0 : i32
        %dma_wait3A_287 = arith.constant 0 : i32
        %dma_wait3A_288 = tpu.memref_slice %run_scoped3A_8[%rem3A_278, %dma_wait3A_286, %dma_wait3A_287] : memref<2x1x128xi32, #tpu.memory_space<vmem>> -> memref<1x1x128xi32, #tpu.memory_space<vmem>>
        %dma_wait3A_289 = tpu.memref_squeeze %dma_wait3A_288 : memref<1x1x128xi32, #tpu.memory_space<vmem>> -> memref<1x128xi32, #tpu.memory_space<vmem>>
        %dma_wait3A_290 = arith.constant 0 : i32
        %dma_wait3A_291 = tpu.memref_slice %arg4[%dma_wait3A_290, %mul3A_276] : memref<1x4096xi32, #tpu.memory_space<hbm>> -> memref<1x128xi32, #tpu.memory_space<hbm>>
        tpu.wait_dma2 semaphore(%dma_wait3A_285 : memref<!tpu.dma_semaphore, #tpu.memory_space<semaphore_mem>>) src(%dma_wait3A_291 : memref<1x128xi32, #tpu.memory_space<hbm>>) dst(%dma_wait3A_289 : memref<1x128xi32, #tpu.memory_space<vmem>>)
        "tpu.trace_stop"() : () -> ()
      } else {
      }
      %rem3A_166 = arith.constant 2 : i32
      %rem3A_167 = arith.remui %scan3A, %rem3A_166 : i32
      %rem3A_168 = arith.constant 2 : i32
      %rem3A_169 = arith.remui %scan3A_88, %rem3A_168 : i32
      %run_scoped3A_170 = arith.constant 0 : i32
      "tpu.trace_start"() <{level = 10 : i32, message = "ep_run_kernel"}> : () -> ()
      "tpu.region"() ({
        %run_scoped3A_275 = tpu.sem_alloc : memref<!tpu.dma_semaphore, #tpu.memory_space<semaphore_mem>>
        %dma_start3A_276 = arith.constant 0 : i32
        %dma_start3A_277 = arith.constant 0 : i32
        %dma_start3A_278 = tpu.memref_slice %run_scoped3A[%rem3A_167, %dma_start3A_276, %dma_start3A_277] : memref<2x1x128xi32, #tpu.memory_space<vmem>> -> memref<1x1x128xi32, #tpu.memory_space<vmem>>
        %dma_start3A_279 = tpu.memref_squeeze %dma_start3A_278 : memref<1x1x128xi32, #tpu.memory_space<vmem>> -> memref<1x128xi32, #tpu.memory_space<vmem>>
        %dma_start3A_280 = arith.constant 0 : i32
        %dma_start3A_281 = tpu.memref_slice %dma_start3A_279[%run_scoped3A_170, %dma_start3A_280] : memref<1x128xi32, #tpu.memory_space<vmem>> -> memref<1x128xi32, #tpu.memory_space<vmem>>
        %dma_start3A_282 = tpu.memref_squeeze %dma_start3A_281 : memref<1x128xi32, #tpu.memory_space<vmem>> -> memref<128xi32, #tpu.memory_space<vmem>>
        %dma_start3A_283 = arith.constant 0 : i32
        %dma_start3A_284 = arith.constant 0 : i32
        %dma_start3A_285 = tpu.memref_slice %arg2[%dma_start3A_283, %dma_start3A_284] : memref<2048x384xi32, #tpu.memory_space<hbm>> -> memref<2048x384xi32, #tpu.memory_space<hbm>>
        tpu.enqueue_indirect_dma source(%dma_start3A_285 : memref<2048x384xi32, #tpu.memory_space<hbm>>) target(%arg6 : memref<128x384xi32, #tpu.memory_space<vmem>>) offsets(%dma_start3A_282 : memref<128xi32, #tpu.memory_space<vmem>>) semaphore(%run_scoped3A_275 : memref<!tpu.dma_semaphore, #tpu.memory_space<semaphore_mem>>)
        %dma_wait3A = arith.constant 0 : i32
        %dma_wait3A_286 = arith.constant 0 : i32
        %dma_wait3A_287 = tpu.memref_slice %run_scoped3A[%rem3A_167, %dma_wait3A, %dma_wait3A_286] : memref<2x1x128xi32, #tpu.memory_space<vmem>> -> memref<1x1x128xi32, #tpu.memory_space<vmem>>
        %dma_wait3A_288 = tpu.memref_squeeze %dma_wait3A_287 : memref<1x1x128xi32, #tpu.memory_space<vmem>> -> memref<1x128xi32, #tpu.memory_space<vmem>>
        %dma_wait3A_289 = arith.constant 0 : i32
        %dma_wait3A_290 = tpu.memref_slice %dma_wait3A_288[%run_scoped3A_170, %dma_wait3A_289] : memref<1x128xi32, #tpu.memory_space<vmem>> -> memref<1x128xi32, #tpu.memory_space<vmem>>
        %dma_wait3A_291 = tpu.memref_squeeze %dma_wait3A_290 : memref<1x128xi32, #tpu.memory_space<vmem>> -> memref<128xi32, #tpu.memory_space<vmem>>
        %dma_wait3A_292 = arith.constant 0 : i32
        %dma_wait3A_293 = arith.constant 0 : i32
        %dma_wait3A_294 = tpu.memref_slice %arg2[%dma_wait3A_292, %dma_wait3A_293] : memref<2048x384xi32, #tpu.memory_space<hbm>> -> memref<2048x384xi32, #tpu.memory_space<hbm>>
        tpu.wait_indirect_dma semaphore(%run_scoped3A_275 : memref<!tpu.dma_semaphore, #tpu.memory_space<semaphore_mem>>) src(%dma_wait3A_294 : memref<2048x384xi32, #tpu.memory_space<hbm>>) dst(%arg6 : memref<128x384xi32, #tpu.memory_space<vmem>>)
        tpu.yield
      }) : () -> ()
      %run_scoped3A_171 = arith.constant 0 : i32
      "tpu.region"() ({
        %run_scoped3A_275 = tpu.sem_alloc : memref<!tpu.dma_semaphore, #tpu.memory_space<semaphore_mem>>
        %dma_start3A_276 = arith.constant 0 : i32
        %dma_start3A_277 = arith.constant 0 : i32
        %dma_start3A_278 = tpu.memref_slice %run_scoped3A_8[%rem3A_169, %dma_start3A_276, %dma_start3A_277] : memref<2x1x128xi32, #tpu.memory_space<vmem>> -> memref<1x1x128xi32, #tpu.memory_space<vmem>>
        %dma_start3A_279 = tpu.memref_squeeze %dma_start3A_278 : memref<1x1x128xi32, #tpu.memory_space<vmem>> -> memref<1x128xi32, #tpu.memory_space<vmem>>
        %dma_start3A_280 = arith.constant 0 : i32
        %dma_start3A_281 = tpu.memref_slice %dma_start3A_279[%run_scoped3A_171, %dma_start3A_280] : memref<1x128xi32, #tpu.memory_space<vmem>> -> memref<1x128xi32, #tpu.memory_space<vmem>>
        %dma_start3A_282 = tpu.memref_squeeze %dma_start3A_281 : memref<1x128xi32, #tpu.memory_space<vmem>> -> memref<128xi32, #tpu.memory_space<vmem>>
        %dma_start3A_283 = arith.constant 0 : i32
        %dma_start3A_284 = arith.constant 0 : i32
        %dma_start3A_285 = tpu.memref_slice %arg5[%dma_start3A_283, %dma_start3A_284] : memref<6144x384xi32, #tpu.memory_space<hbm>> -> memref<6144x384xi32, #tpu.memory_space<hbm>>
        tpu.enqueue_indirect_dma source(%arg6 : memref<128x384xi32, #tpu.memory_space<vmem>>) target(%dma_start3A_285 : memref<6144x384xi32, #tpu.memory_space<hbm>>) offsets(%dma_start3A_282 : memref<128xi32, #tpu.memory_space<vmem>>) semaphore(%run_scoped3A_275 : memref<!tpu.dma_semaphore, #tpu.memory_space<semaphore_mem>>)
        %dma_wait3A = arith.constant 0 : i32
        %dma_wait3A_286 = arith.constant 0 : i32
        %dma_wait3A_287 = tpu.memref_slice %run_scoped3A_8[%rem3A_169, %dma_wait3A, %dma_wait3A_286] : memref<2x1x128xi32, #tpu.memory_space<vmem>> -> memref<1x1x128xi32, #tpu.memory_space<vmem>>
        %dma_wait3A_288 = tpu.memref_squeeze %dma_wait3A_287 : memref<1x1x128xi32, #tpu.memory_space<vmem>> -> memref<1x128xi32, #tpu.memory_space<vmem>>
        %dma_wait3A_289 = arith.constant 0 : i32
        %dma_wait3A_290 = tpu.memref_slice %dma_wait3A_288[%run_scoped3A_171, %dma_wait3A_289] : memref<1x128xi32, #tpu.memory_space<vmem>> -> memref<1x128xi32, #tpu.memory_space<vmem>>
        %dma_wait3A_291 = tpu.memref_squeeze %dma_wait3A_290 : memref<1x128xi32, #tpu.memory_space<vmem>> -> memref<128xi32, #tpu.memory_space<vmem>>
        %dma_wait3A_292 = arith.constant 0 : i32
        %dma_wait3A_293 = arith.constant 0 : i32
        %dma_wait3A_294 = tpu.memref_slice %arg5[%dma_wait3A_292, %dma_wait3A_293] : memref<6144x384xi32, #tpu.memory_space<hbm>> -> memref<6144x384xi32, #tpu.memory_space<hbm>>
        tpu.wait_indirect_dma semaphore(%run_scoped3A_275 : memref<!tpu.dma_semaphore, #tpu.memory_space<semaphore_mem>>) src(%arg6 : memref<128x384xi32, #tpu.memory_space<vmem>>) dst(%dma_wait3A_294 : memref<6144x384xi32, #tpu.memory_space<hbm>>)
        tpu.yield
      }) : () -> ()
      "tpu.trace_stop"() : () -> ()
      %ne3A_172 = arith.cmpi ne, %add3A_96, %add3A_116 : i32
      %or3A_173 = arith.constant false
      %or3A_174 = arith.ori %or3A_173, %ne3A_172 : i1
      %or3A_175 = arith.ori %or3A_174, %eq3A_94 : i1
      %convert_element_type3A_176 = arith.extui %or3A_175 : i1 to i32
      %cond3A_177 = arith.constant 0 : i32
      %cond3A_178 = arith.cmpi ne, %convert_element_type3A_176, %cond3A_177 : i32
      scf.if %cond3A_178 {
      } else {
      }
      %and3A_179 = arith.constant false
      %and3A_180 = arith.andi %or3A_175, %and3A_179 : i1
      %ne3A_181 = arith.cmpi ne, %add3A_96, %add3A_116 : i32
      %or3A_182 = arith.constant false
      %or3A_183 = arith.ori %or3A_182, %ne3A_181 : i1
      %or3A_184 = arith.ori %or3A_183, %eq3A_94 : i1
      %convert_element_type3A_185 = arith.extui %or3A_184 : i1 to i32
      %cond3A_186 = arith.constant 0 : i32
      %cond3A_187 = arith.cmpi ne, %convert_element_type3A_185, %cond3A_186 : i32
      scf.if %cond3A_187 {
      } else {
      }
      %and3A_188 = arith.constant false
      %and3A_189 = arith.andi %or3A_184, %and3A_188 : i1
      %ne3A_190 = arith.cmpi ne, %add3A_96, %add3A_106 : i32
      %or3A_191 = arith.constant false
      %or3A_192 = arith.ori %or3A_191, %ne3A_190 : i1
      %not3A_193 = arith.constant true
      %not3A_194 = arith.xori %eq3A_92, %not3A_193 : i1
      %and3A_195 = arith.andi %or3A_192, %not3A_194 : i1
      %convert_element_type3A_196 = arith.extui %and3A_195 : i1 to i32
      %cond3A_197 = arith.constant 0 : i32
      %cond3A_198 = arith.cmpi ne, %convert_element_type3A_196, %cond3A_197 : i32
      scf.if %cond3A_198 {
      } else {
      }
      %and3A_199 = arith.constant false
      %and3A_200 = arith.andi %and3A_195, %and3A_199 : i1
      %ne3A_201 = arith.cmpi ne, %add3A_96, %add3A_106 : i32
      %or3A_202 = arith.constant false
      %or3A_203 = arith.ori %or3A_202, %ne3A_201 : i1
      %not3A_204 = arith.constant true
      %not3A_205 = arith.xori %eq3A_92, %not3A_204 : i1
      %and3A_206 = arith.andi %or3A_203, %not3A_205 : i1
      %convert_element_type3A_207 = arith.extui %and3A_206 : i1 to i32
      %cond3A_208 = arith.constant 0 : i32
      %cond3A_209 = arith.cmpi ne, %convert_element_type3A_207, %cond3A_208 : i32
      scf.if %cond3A_209 {
      } else {
      }
      %and3A_210 = arith.constant false
      %and3A_211 = arith.andi %and3A_206, %and3A_210 : i1
      %ne3A_212 = arith.cmpi ne, %add3A_96, %add3A_116 : i32
      %or3A_213 = arith.constant false
      %or3A_214 = arith.ori %or3A_213, %ne3A_212 : i1
      %or3A_215 = arith.ori %or3A_214, %eq3A_94 : i1
      %add3A_216 = arith.constant 1 : i32
      %add3A_217 = arith.addi %scan3A, %add3A_216 : i32
      %select_n3A_218 = arith.select %or3A_215, %add3A_217, %scan3A : i32
      %ne3A_219 = arith.cmpi ne, %add3A_96, %add3A_116 : i32
      %or3A_220 = arith.constant false
      %or3A_221 = arith.ori %or3A_220, %ne3A_219 : i1
      %or3A_222 = arith.ori %or3A_221, %eq3A_94 : i1
      %add3A_223 = arith.constant 1 : i32
      %add3A_224 = arith.addi %scan3A_88, %add3A_223 : i32
      %select_n3A_225 = arith.select %or3A_222, %add3A_224, %scan3A_88 : i32
      %select_n3A_226 = arith.constant true
      %select_n3A_227 = arith.constant 0 : i32
      %select_n3A_228 = arith.constant 1 : i32
      %select_n3A_229 = arith.select %select_n3A_226, %select_n3A_228, %select_n3A_227 : i32
      %eq3A_230 = arith.constant 1 : i32
      %eq3A_231 = arith.cmpi eq, %select_n3A_229, %eq3A_230 : i32
      %select_n3A_232 = arith.constant 0 : i32
      %select_n3A_233 = arith.select %eq3A_231, %select_n3A_232, %select_n3A_229 : i32
      %scan3A_234 = arith.constant 0 : i32
      %scan3A_235 = arith.constant 1 : i32
      %sub3A = arith.constant 1 : i32
      %sub3A_236 = arith.subi %scan3A_234, %sub3A : i32
      %select_n3A_237 = arith.constant true
      %select_n3A_238 = arith.select %select_n3A_237, %sub3A_236, %scan3A_234 : i32
      %eq3A_239 = arith.constant -1 : i32
      %eq3A_240 = arith.cmpi eq, %select_n3A_238, %eq3A_239 : i32
      %select_n3A_241 = arith.constant 0 : i32
      %select_n3A_242 = arith.select %eq3A_240, %select_n3A_241, %select_n3A_238 : i32
      %add3A_243 = arith.constant 0 : i32
      %add3A_244 = arith.addi %add3A_243, %mul3A_6 : i32
      %select_n3A_245 = arith.constant true
      %select_n3A_246 = arith.constant 0 : i32
      %select_n3A_247 = arith.constant -1 : i32
      %select_n3A_248 = arith.select %select_n3A_245, %select_n3A_247, %select_n3A_246 : i32
      %eq3A_249 = arith.constant -1 : i32
      %eq3A_250 = arith.cmpi eq, %select_n3A_248, %eq3A_249 : i32
      %select_n3A_251 = arith.constant 0 : i32
      %select_n3A_252 = arith.select %eq3A_250, %select_n3A_251, %select_n3A_248 : i32
      %add3A_253 = arith.constant 0 : i32
      %add3A_254 = arith.addi %add3A_253, %mul3A_6 : i32
      %select_n3A_255 = arith.constant true
      %select_n3A_256 = arith.constant 0 : i32
      %select_n3A_257 = arith.constant 1 : i32
      %select_n3A_258 = arith.select %select_n3A_255, %select_n3A_257, %select_n3A_256 : i32
      %eq3A_259 = arith.constant 1 : i32
      %eq3A_260 = arith.cmpi eq, %select_n3A_258, %eq3A_259 : i32
      %select_n3A_261 = arith.constant 0 : i32
      %select_n3A_262 = arith.select %eq3A_260, %select_n3A_261, %select_n3A_258 : i32
      %add3A_263 = arith.constant 0 : i32
      %add3A_264 = arith.addi %add3A_263, %mul3A_6 : i32
      %select_n3A_265 = arith.constant true
      %select_n3A_266 = arith.constant 0 : i32
      %select_n3A_267 = arith.constant 1 : i32
      %select_n3A_268 = arith.select %select_n3A_265, %select_n3A_267, %select_n3A_266 : i32
      %eq3A_269 = arith.constant 1 : i32
      %eq3A_270 = arith.cmpi eq, %select_n3A_268, %eq3A_269 : i32
      %select_n3A_271 = arith.constant 0 : i32
      %select_n3A_272 = arith.select %eq3A_270, %select_n3A_271, %select_n3A_268 : i32
      %add3A_273 = arith.constant 0 : i32
      %add3A_274 = arith.addi %add3A_273, %mul3A_6 : i32
      tpu.yield
    }) : () -> ()
    return
  }
}

#map = affine_map<(d0, d1) -> (0, 0)>
module attributes {stable_mosaic.version = 14 : i64} {
  func.func @k(%arg0: i32, %arg1: i32, %arg2: memref<6144x384xi32, #tpu.memory_space<hbm>>, %arg3: memref<1x4096xi32, #tpu.memory_space<hbm>>, %arg4: memref<4096x384xi32, #tpu.memory_space<hbm>>, %arg5: memref<1x128xi32, #tpu.memory_space<vmem>>) attributes {dimension_semantics = [#tpu.dimension_semantics<core_parallel>, #tpu.dimension_semantics<subcore_parallel>], iteration_bounds = array<i64: 2, 16>, scalar_prefetch = 0 : i64, scratch_operands = 1 : i64, tpu.core_type = #tpu.core_type<sc_vector_subcore>, window_params = [{transform_indices = #map}, {transform_indices = #map}, {transform_indices = #map}]} {
    %mul3A = arith.constant 1 : i32
    %mul3A_0 = arith.muli %arg1, %mul3A : i32
    %add3A = arith.constant 0 : i32
    %add3A_1 = arith.addi %add3A, %mul3A_0 : i32
    %mul3A_2 = arith.constant 16 : i32
    %mul3A_3 = arith.muli %arg0, %mul3A_2 : i32
    %add3A_4 = arith.addi %add3A_1, %mul3A_3 : i32
    %mul3A_5 = arith.constant 1 : i32
    %mul3A_6 = arith.muli %add3A_4, %mul3A_5 : i32
    "tpu.region"() ({
      %run_scoped3A = memref.alloca() : memref<2x1x128xi32, #tpu.memory_space<vmem>>
      %run_scoped3A_7 = tpu.sem_alloc : memref<2x!tpu.dma_semaphore, #tpu.memory_space<semaphore_mem>>
      %run_scoped3A_8 = memref.alloca() : memref<2x128x384xi32, #tpu.memory_space<vmem>>
      %run_scoped3A_9 = tpu.sem_alloc : memref<2x!tpu.dma_semaphore, #tpu.memory_space<semaphore_mem>>
      %add3A_10 = arith.constant 0 : i32
      %add3A_11 = arith.addi %add3A_10, %mul3A_6 : i32
      %select_n3A = arith.constant true
      %select_n3A_12 = arith.constant 0 : i32
      %select_n3A_13 = arith.constant -1 : i32
      %select_n3A_14 = arith.select %select_n3A, %select_n3A_13, %select_n3A_12 : i32
      %eq3A = arith.constant -1 : i32
      %eq3A_15 = arith.cmpi eq, %select_n3A_14, %eq3A : i32
      %select_n3A_16 = arith.constant 0 : i32
      %select_n3A_17 = arith.select %eq3A_15, %select_n3A_16, %select_n3A_14 : i32
      %add3A_18 = arith.constant 0 : i32
      %add3A_19 = arith.addi %add3A_18, %mul3A_6 : i32
      %select_n3A_20 = arith.constant true
      %select_n3A_21 = arith.constant 0 : i32
      %select_n3A_22 = arith.constant 1 : i32
      %select_n3A_23 = arith.select %select_n3A_20, %select_n3A_22, %select_n3A_21 : i32
      %eq3A_24 = arith.constant 1 : i32
      %eq3A_25 = arith.cmpi eq, %select_n3A_23, %eq3A_24 : i32
      %select_n3A_26 = arith.constant 0 : i32
      %select_n3A_27 = arith.select %eq3A_25, %select_n3A_26, %select_n3A_23 : i32
      %add3A_28 = arith.constant 0 : i32
      %add3A_29 = arith.addi %add3A_28, %mul3A_6 : i32
      %select_n3A_30 = arith.constant true
      %select_n3A_31 = arith.constant 0 : i32
      %select_n3A_32 = arith.constant 1 : i32
      %select_n3A_33 = arith.select %select_n3A_30, %select_n3A_32, %select_n3A_31 : i32
      %eq3A_34 = arith.constant 1 : i32
      %eq3A_35 = arith.cmpi eq, %select_n3A_33, %eq3A_34 : i32
      %select_n3A_36 = arith.constant 0 : i32
      %select_n3A_37 = arith.select %eq3A_35, %select_n3A_36, %select_n3A_33 : i32
      %add3A_38 = arith.constant 0 : i32
      %add3A_39 = arith.addi %add3A_38, %mul3A_6 : i32
      "tpu.trace_start"() <{level = 10 : i32, message = "ep_initialize_0"}> : () -> ()
      %rem3A = arith.constant 0 : i32
      %rem3A_40 = arith.constant 2 : i32
      %rem3A_41 = arith.remui %rem3A, %rem3A_40 : i32
      %mul3A_42 = arith.constant 128 : i32
      %mul3A_43 = arith.muli %mul3A_42, %add3A_11 : i32
      %dma_start3A = arith.constant 0 : i32
      %dma_start3A_44 = arith.constant 0 : i32
      %dma_start3A_45 = tpu.memref_slice %run_scoped3A[%rem3A_41, %dma_start3A, %dma_start3A_44] : memref<2x1x128xi32, #tpu.memory_space<vmem>> -> memref<1x1x128xi32, #tpu.memory_space<vmem>>
      %dma_start3A_46 = tpu.memref_squeeze %dma_start3A_45 : memref<1x1x128xi32, #tpu.memory_space<vmem>> -> memref<1x128xi32, #tpu.memory_space<vmem>>
      %dma_start3A_47 = arith.constant 0 : i32
      %dma_start3A_48 = tpu.memref_slice %arg3[%dma_start3A_47, %mul3A_43] : memref<1x4096xi32, #tpu.memory_space<hbm>> -> memref<1x128xi32, #tpu.memory_space<hbm>>
      %dma_start3A_49 = tpu.memref_slice %run_scoped3A_7[%rem3A_41] : memref<2x!tpu.dma_semaphore, #tpu.memory_space<semaphore_mem>> -> memref<1x!tpu.dma_semaphore, #tpu.memory_space<semaphore_mem>>
      %dma_start3A_50 = tpu.memref_squeeze %dma_start3A_49 : memref<1x!tpu.dma_semaphore, #tpu.memory_space<semaphore_mem>> -> memref<!tpu.dma_semaphore, #tpu.memory_space<semaphore_mem>>
      %dma_start3A_51 = arith.constant 0 : i32
      %dma_start3A_52 = arith.constant 0 : i32
      %dma_start3A_53 = tpu.memref_slice %run_scoped3A[%rem3A_41, %dma_start3A_51, %dma_start3A_52] : memref<2x1x128xi32, #tpu.memory_space<vmem>> -> memref<1x1x128xi32, #tpu.memory_space<vmem>>
      %dma_start3A_54 = tpu.memref_squeeze %dma_start3A_53 : memref<1x1x128xi32, #tpu.memory_space<vmem>> -> memref<1x128xi32, #tpu.memory_space<vmem>>
      %dma_start3A_55 = arith.constant 0 : i32
      %dma_start3A_56 = tpu.memref_slice %arg3[%dma_start3A_55, %mul3A_43] : memref<1x4096xi32, #tpu.memory_space<hbm>> -> memref<1x128xi32, #tpu.memory_space<hbm>>
      tpu.enqueue_dma source(%dma_start3A_56 : memref<1x128xi32, #tpu.memory_space<hbm>>) target(%dma_start3A_54 : memref<1x128xi32, #tpu.memory_space<vmem>>) target_semaphore(%dma_start3A_50 : memref<!tpu.dma_semaphore, #tpu.memory_space<semaphore_mem>>)
      %add3A_57 = arith.constant 0 : i32
      %add3A_58 = arith.constant 1 : i32
      %add3A_59 = arith.addi %add3A_57, %add3A_58 : i32
      %select_n3A_60 = arith.constant true
      %select_n3A_61 = arith.constant 0 : i32
      %select_n3A_62 = arith.select %select_n3A_60, %add3A_59, %select_n3A_61 : i32
      "tpu.trace_stop"() : () -> ()
      %scan3A = arith.constant 0 : i32
      %scan3A_63 = arith.constant 0 : i32
      %scan3A_64 = arith.constant 0 : i32
      %scan3A_65 = arith.constant 0 : i32
      %scan3A_66 = arith.constant 0 : i32
      %eq3A_67 = arith.constant 0 : i32
      %eq3A_68 = arith.cmpi eq, %scan3A_66, %eq3A_67 : i32
      %eq3A_69 = arith.constant 0 : i32
      %eq3A_70 = arith.cmpi eq, %scan3A_66, %eq3A_69 : i32
      %add3A_71 = arith.constant 0 : i32
      %add3A_72 = arith.addi %add3A_71, %mul3A_6 : i32
      %select_n3A_73 = arith.constant true
      %select_n3A_74 = arith.constant 0 : i32
      %select_n3A_75 = arith.constant -1 : i32
      %select_n3A_76 = arith.select %select_n3A_73, %select_n3A_75, %select_n3A_74 : i32
      %eq3A_77 = arith.constant -1 : i32
      %eq3A_78 = arith.cmpi eq, %select_n3A_76, %eq3A_77 : i32
      %select_n3A_79 = arith.constant 0 : i32
      %select_n3A_80 = arith.select %eq3A_78, %select_n3A_79, %select_n3A_76 : i32
      %add3A_81 = arith.constant 0 : i32
      %add3A_82 = arith.addi %add3A_81, %mul3A_6 : i32
      %select_n3A_83 = arith.constant true
      %select_n3A_84 = arith.constant 0 : i32
      %select_n3A_85 = arith.constant 1 : i32
      %select_n3A_86 = arith.select %select_n3A_83, %select_n3A_85, %select_n3A_84 : i32
      %eq3A_87 = arith.constant 1 : i32
      %eq3A_88 = arith.cmpi eq, %select_n3A_86, %eq3A_87 : i32
      %select_n3A_89 = arith.constant 0 : i32
      %select_n3A_90 = arith.select %eq3A_88, %select_n3A_89, %select_n3A_86 : i32
      %add3A_91 = arith.constant 0 : i32
      %add3A_92 = arith.addi %add3A_91, %mul3A_6 : i32
      %select_n3A_93 = arith.constant true
      %select_n3A_94 = arith.constant 0 : i32
      %select_n3A_95 = arith.constant 1 : i32
      %select_n3A_96 = arith.select %select_n3A_93, %select_n3A_95, %select_n3A_94 : i32
      %eq3A_97 = arith.constant 1 : i32
      %eq3A_98 = arith.cmpi eq, %select_n3A_96, %eq3A_97 : i32
      %select_n3A_99 = arith.constant 0 : i32
      %select_n3A_100 = arith.select %eq3A_98, %select_n3A_99, %select_n3A_96 : i32
      %add3A_101 = arith.constant 0 : i32
      %add3A_102 = arith.addi %add3A_101, %mul3A_6 : i32
      %ne3A = arith.cmpi ne, %add3A_72, %add3A_92 : i32
      %or3A = arith.constant false
      %or3A_103 = arith.ori %or3A, %ne3A : i1
      %ge3A = arith.constant 0 : i32
      %ge3A_104 = arith.cmpi sge, %scan3A_66, %ge3A : i32
      %not3A = arith.constant true
      %not3A_105 = arith.xori %ge3A_104, %not3A : i1
      %and3A = arith.andi %or3A_103, %not3A_105 : i1
      %convert_element_type3A = arith.extui %and3A : i1 to i32
      %cond3A = arith.constant 0 : i32
      %cond3A_106 = arith.cmpi ne, %convert_element_type3A, %cond3A : i32
      scf.if %cond3A_106 {
        "tpu.trace_start"() <{level = 10 : i32, message = "ep_copy_in"}> : () -> ()
        %rem3A_271 = arith.constant 2 : i32
        %rem3A_272 = arith.remui %select_n3A_62, %rem3A_271 : i32
        %mul3A_273 = arith.constant 128 : i32
        %mul3A_274 = arith.muli %mul3A_273, %add3A_92 : i32
        %dma_start3A_275 = arith.constant 0 : i32
        %dma_start3A_276 = arith.constant 0 : i32
        %dma_start3A_277 = tpu.memref_slice %run_scoped3A[%rem3A_272, %dma_start3A_275, %dma_start3A_276] : memref<2x1x128xi32, #tpu.memory_space<vmem>> -> memref<1x1x128xi32, #tpu.memory_space<vmem>>
        %dma_start3A_278 = tpu.memref_squeeze %dma_start3A_277 : memref<1x1x128xi32, #tpu.memory_space<vmem>> -> memref<1x128xi32, #tpu.memory_space<vmem>>
        %dma_start3A_279 = arith.constant 0 : i32
        %dma_start3A_280 = tpu.memref_slice %arg3[%dma_start3A_279, %mul3A_274] : memref<1x4096xi32, #tpu.memory_space<hbm>> -> memref<1x128xi32, #tpu.memory_space<hbm>>
        %dma_start3A_281 = tpu.memref_slice %run_scoped3A_7[%rem3A_272] : memref<2x!tpu.dma_semaphore, #tpu.memory_space<semaphore_mem>> -> memref<1x!tpu.dma_semaphore, #tpu.memory_space<semaphore_mem>>
        %dma_start3A_282 = tpu.memref_squeeze %dma_start3A_281 : memref<1x!tpu.dma_semaphore, #tpu.memory_space<semaphore_mem>> -> memref<!tpu.dma_semaphore, #tpu.memory_space<semaphore_mem>>
        %dma_start3A_283 = arith.constant 0 : i32
        %dma_start3A_284 = arith.constant 0 : i32
        %dma_start3A_285 = tpu.memref_slice %run_scoped3A[%rem3A_272, %dma_start3A_283, %dma_start3A_284] : memref<2x1x128xi32, #tpu.memory_space<vmem>> -> memref<1x1x128xi32, #tpu.memory_space<vmem>>
        %dma_start3A_286 = tpu.memref_squeeze %dma_start3A_285 : memref<1x1x128xi32, #tpu.memory_space<vmem>> -> memref<1x128xi32, #tpu.memory_space<vmem>>
        %dma_start3A_287 = arith.constant 0 : i32
        %dma_start3A_288 = tpu.memref_slice %arg3[%dma_start3A_287, %mul3A_274] : memref<1x4096xi32, #tpu.memory_space<hbm>> -> memref<1x128xi32, #tpu.memory_space<hbm>>
        tpu.enqueue_dma source(%dma_start3A_288 : memref<1x128xi32, #tpu.memory_space<hbm>>) target(%dma_start3A_286 : memref<1x128xi32, #tpu.memory_space<vmem>>) target_semaphore(%dma_start3A_282 : memref<!tpu.dma_semaphore, #tpu.memory_space<semaphore_mem>>)
        "tpu.trace_stop"() : () -> ()
      } else {
      }
      %and3A_107 = arith.constant true
      %and3A_108 = arith.andi %and3A, %and3A_107 : i1
      %add3A_109 = arith.constant 1 : i32
      %add3A_110 = arith.addi %select_n3A_62, %add3A_109 : i32
      %select_n3A_111 = arith.select %and3A_108, %add3A_110, %select_n3A_62 : i32
      %ne3A_112 = arith.cmpi ne, %add3A_72, %add3A_92 : i32
      %or3A_113 = arith.constant false
      %or3A_114 = arith.ori %or3A_113, %ne3A_112 : i1
      %or3A_115 = arith.constant false
      %or3A_116 = arith.ori %or3A_114, %or3A_115 : i1
      %ge3A_117 = arith.constant 0 : i32
      %ge3A_118 = arith.cmpi sge, %scan3A_66, %ge3A_117 : i32
      %not3A_119 = arith.constant true
      %not3A_120 = arith.xori %ge3A_118, %not3A_119 : i1
      %and3A_121 = arith.andi %or3A_116, %not3A_120 : i1
      %ne3A_122 = arith.cmpi ne, %add3A_72, %add3A_82 : i32
      %or3A_123 = arith.constant false
      %or3A_124 = arith.ori %or3A_123, %ne3A_122 : i1
      %or3A_125 = arith.ori %or3A_124, %eq3A_68 : i1
      %convert_element_type3A_126 = arith.extui %or3A_125 : i1 to i32
      %cond3A_127 = arith.constant 0 : i32
      %cond3A_128 = arith.cmpi ne, %convert_element_type3A_126, %cond3A_127 : i32
      scf.if %cond3A_128 {
        "tpu.trace_start"() <{level = 10 : i32, message = "ep_wait_in"}> : () -> ()
        %mul3A_271 = arith.constant 128 : i32
        %mul3A_272 = arith.muli %mul3A_271, %add3A_72 : i32
        %rem3A_273 = arith.constant 2 : i32
        %rem3A_274 = arith.remui %scan3A, %rem3A_273 : i32
        %dma_wait3A_275 = arith.constant 0 : i32
        %dma_wait3A_276 = arith.constant 0 : i32
        %dma_wait3A_277 = tpu.memref_slice %run_scoped3A[%rem3A_274, %dma_wait3A_275, %dma_wait3A_276] : memref<2x1x128xi32, #tpu.memory_space<vmem>> -> memref<1x1x128xi32, #tpu.memory_space<vmem>>
        %dma_wait3A_278 = tpu.memref_squeeze %dma_wait3A_277 : memref<1x1x128xi32, #tpu.memory_space<vmem>> -> memref<1x128xi32, #tpu.memory_space<vmem>>
        %dma_wait3A_279 = arith.constant 0 : i32
        %dma_wait3A_280 = tpu.memref_slice %arg3[%dma_wait3A_279, %mul3A_272] : memref<1x4096xi32, #tpu.memory_space<hbm>> -> memref<1x128xi32, #tpu.memory_space<hbm>>
        %dma_wait3A_281 = tpu.memref_slice %run_scoped3A_7[%rem3A_274] : memref<2x!tpu.dma_semaphore, #tpu.memory_space<semaphore_mem>> -> memref<1x!tpu.dma_semaphore, #tpu.memory_space<semaphore_mem>>
        %dma_wait3A_282 = tpu.memref_squeeze %dma_wait3A_281 : memref<1x!tpu.dma_semaphore, #tpu.memory_space<semaphore_mem>> -> memref<!tpu.dma_semaphore, #tpu.memory_space<semaphore_mem>>
        %dma_wait3A_283 = arith.constant 0 : i32
        %dma_wait3A_284 = arith.constant 0 : i32
        %dma_wait3A_285 = tpu.memref_slice %run_scoped3A[%rem3A_274, %dma_wait3A_283, %dma_wait3A_284] : memref<2x1x128xi32, #tpu.memory_space<vmem>> -> memref<1x1x128xi32, #tpu.memory_space<vmem>>
        %dma_wait3A_286 = tpu.memref_squeeze %dma_wait3A_285 : memref<1x1x128xi32, #tpu.memory_space<vmem>> -> memref<1x128xi32, #tpu.memory_space<vmem>>
        %dma_wait3A_287 = arith.constant 0 : i32
        %dma_wait3A_288 = tpu.memref_slice %arg3[%dma_wait3A_287, %mul3A_272] : memref<1x4096xi32, #tpu.memory_space<hbm>> -> memref<1x128xi32, #tpu.memory_space<hbm>>
        tpu.wait_dma2 semaphore(%dma_wait3A_282 : memref<!tpu.dma_semaphore, #tpu.memory_space<semaphore_mem>>) src(%dma_wait3A_288 : memref<1x128xi32, #tpu.memory_space<hbm>>) dst(%dma_wait3A_286 : memref<1x128xi32, #tpu.memory_space<vmem>>)
        "tpu.trace_stop"() : () -> ()
      } else {
      }
      %ne3A_129 = arith.cmpi ne, %add3A_72, %add3A_82 : i32
      %or3A_130 = arith.constant false
      %or3A_131 = arith.ori %or3A_130, %ne3A_129 : i1
      %or3A_132 = arith.constant false
      %or3A_133 = arith.ori %or3A_131, %or3A_132 : i1
      %or3A_134 = arith.ori %or3A_133, %eq3A_68 : i1
      %convert_element_type3A_135 = arith.extui %or3A_134 : i1 to i32
      %cond3A_136 = arith.constant 0 : i32
      %cond3A_137 = arith.cmpi ne, %convert_element_type3A_135, %cond3A_136 : i32
      scf.if %cond3A_137 {
      } else {
      }
      %rem3A_138 = arith.constant 2 : i32
      %rem3A_139 = arith.remui %scan3A, %rem3A_138 : i32
      %rem3A_140 = arith.constant 2 : i32
      %rem3A_141 = arith.remui %scan3A_63, %rem3A_140 : i32
      "tpu.trace_start"() <{level = 10 : i32, message = "ep_run_kernel"}> : () -> ()
      %scan3A_142 = arith.constant 0 : i32
      %scan3A_143 = arith.constant 8 : i32
      %scan3A_144 = arith.addi %scan3A_142, %scan3A_143 : i32
      %scan3A_145 = arith.constant 1 : i32
      scf.for %scan3A_271 = %scan3A_142 to %scan3A_144 step %scan3A_145  : i32 {
        %mul3A_272 = arith.constant 16 : i32
        %mul3A_273 = arith.muli %scan3A_271, %mul3A_272 : i32
        %add3A_274 = arith.constant 0 : i32
        %add3A_275 = arith.addi %add3A_274, %mul3A_273 : i32
        %get3A = arith.constant 0 : i32
        %get3A_276 = arith.constant 0 : i32
        %get3A_277 = tpu.memref_slice %run_scoped3A[%rem3A_139, %get3A, %get3A_276] : memref<2x1x128xi32, #tpu.memory_space<vmem>> -> memref<1x1x128xi32, #tpu.memory_space<vmem>>
        %get3A_278 = tpu.memref_squeeze %get3A_277 : memref<1x1x128xi32, #tpu.memory_space<vmem>> -> memref<1x128xi32, #tpu.memory_space<vmem>>
        %get3A_279 = arith.constant 0 : index
        %get3A_280 = arith.index_cast %add3A_275 : i32 to index
        %get3A_281 = tpu.vector_load %get3A_278[%get3A_279, %get3A_280] {strides = array<i32>} : memref<1x128xi32, #tpu.memory_space<vmem>>, vector<1x16xi32>,
        %get3A_282 = vector.shape_cast %get3A_281 : vector<1x16xi32> to vector<1x16xi32>
        %max3A = arith.constant 0 : i32
        %max3A_283 = vector.broadcast %max3A : i32 to vector<1x16xi32>
        %max3A_284 = arith.maxsi %get3A_282, %max3A_283 : vector<1x16xi32>
        %min3A = arith.constant 6143 : i32
        %min3A_285 = vector.broadcast %min3A : i32 to vector<1x16xi32>
        %min3A_286 = arith.minsi %max3A_284, %min3A_285 : vector<1x16xi32>
        %swap3A = arith.constant 0 : index
        %swap3A_287 = arith.index_cast %add3A_275 : i32 to index
        %swap3A_288 = tpu.vector_load %arg5[%swap3A, %swap3A_287] {strides = array<i32>} : memref<1x128xi32, #tpu.memory_space<vmem>>, vector<1x16xi32>,
        %swap3A_289 = vector.shape_cast %swap3A_288 : vector<1x16xi32> to vector<1x16xi32>
        %swap3A_290 = vector.shape_cast %min3A_286 : vector<1x16xi32> to vector<1x16xi32>
        tpu.vector_store %arg5[%swap3A, %swap3A_287], %swap3A_290 {strides = array<i32>} : memref<1x128xi32, #tpu.memory_space<vmem>>, vector<1x16xi32>,
      }
      %scan3A_146 = arith.constant 8 : i32
      %run_scoped3A_147 = arith.constant 0 : i32
      "tpu.region"() ({
        %run_scoped3A_271 = tpu.sem_alloc : memref<!tpu.dma_semaphore, #tpu.memory_space<semaphore_mem>>
        %dma_start3A_272 = arith.constant 0 : i32
        %dma_start3A_273 = arith.constant 0 : i32
        %dma_start3A_274 = tpu.memref_slice %run_scoped3A_8[%rem3A_141, %dma_start3A_272, %dma_start3A_273] : memref<2x128x384xi32, #tpu.memory_space<vmem>> -> memref<1x128x384xi32, #tpu.memory_space<vmem>>
        %dma_start3A_275 = tpu.memref_squeeze %dma_start3A_274 : memref<1x128x384xi32, #tpu.memory_space<vmem>> -> memref<128x384xi32, #tpu.memory_space<vmem>>
        %dma_start3A_276 = arith.constant 0 : i32
        %dma_start3A_277 = tpu.memref_slice %arg5[%run_scoped3A_147, %dma_start3A_276] : memref<1x128xi32, #tpu.memory_space<vmem>> -> memref<1x128xi32, #tpu.memory_space<vmem>>
        %dma_start3A_278 = tpu.memref_squeeze %dma_start3A_277 : memref<1x128xi32, #tpu.memory_space<vmem>> -> memref<128xi32, #tpu.memory_space<vmem>>
        %dma_start3A_279 = arith.constant 0 : i32
        %dma_start3A_280 = arith.constant 0 : i32
        %dma_start3A_281 = tpu.memref_slice %arg2[%dma_start3A_279, %dma_start3A_280] : memref<6144x384xi32, #tpu.memory_space<hbm>> -> memref<6144x384xi32, #tpu.memory_space<hbm>>
        tpu.enqueue_indirect_dma source(%dma_start3A_281 : memref<6144x384xi32, #tpu.memory_space<hbm>>) target(%dma_start3A_275 : memref<128x384xi32, #tpu.memory_space<vmem>>) offsets(%dma_start3A_278 : memref<128xi32, #tpu.memory_space<vmem>>) semaphore(%run_scoped3A_271 : memref<!tpu.dma_semaphore, #tpu.memory_space<semaphore_mem>>)
        %dma_wait3A_282 = arith.constant 0 : i32
        %dma_wait3A_283 = arith.constant 0 : i32
        %dma_wait3A_284 = tpu.memref_slice %run_scoped3A_8[%rem3A_141, %dma_wait3A_282, %dma_wait3A_283] : memref<2x128x384xi32, #tpu.memory_space<vmem>> -> memref<1x128x384xi32, #tpu.memory_space<vmem>>
        %dma_wait3A_285 = tpu.memref_squeeze %dma_wait3A_284 : memref<1x128x384xi32, #tpu.memory_space<vmem>> -> memref<128x384xi32, #tpu.memory_space<vmem>>
        %dma_wait3A_286 = arith.constant 0 : i32
        %dma_wait3A_287 = tpu.memref_slice %arg5[%run_scoped3A_147, %dma_wait3A_286] : memref<1x128xi32, #tpu.memory_space<vmem>> -> memref<1x128xi32, #tpu.memory_space<vmem>>
        %dma_wait3A_288 = tpu.memref_squeeze %dma_wait3A_287 : memref<1x128xi32, #tpu.memory_space<vmem>> -> memref<128xi32, #tpu.memory_space<vmem>>
        %dma_wait3A_289 = arith.constant 0 : i32
        %dma_wait3A_290 = arith.constant 0 : i32
        %dma_wait3A_291 = tpu.memref_slice %arg2[%dma_wait3A_289, %dma_wait3A_290] : memref<6144x384xi32, #tpu.memory_space<hbm>> -> memref<6144x384xi32, #tpu.memory_space<hbm>>
        tpu.wait_indirect_dma semaphore(%run_scoped3A_271 : memref<!tpu.dma_semaphore, #tpu.memory_space<semaphore_mem>>) src(%dma_wait3A_291 : memref<6144x384xi32, #tpu.memory_space<hbm>>) dst(%dma_wait3A_285 : memref<128x384xi32, #tpu.memory_space<vmem>>)
        tpu.yield
      }) : () -> ()
      "tpu.trace_stop"() : () -> ()
      %ne3A_148 = arith.cmpi ne, %add3A_72, %add3A_92 : i32
      %or3A_149 = arith.constant false
      %or3A_150 = arith.ori %or3A_149, %ne3A_148 : i1
      %or3A_151 = arith.ori %or3A_150, %eq3A_70 : i1
      %convert_element_type3A_152 = arith.extui %or3A_151 : i1 to i32
      %cond3A_153 = arith.constant 0 : i32
      %cond3A_154 = arith.cmpi ne, %convert_element_type3A_152, %cond3A_153 : i32
      scf.if %cond3A_154 {
      } else {
      }
      %and3A_155 = arith.constant false
      %and3A_156 = arith.andi %or3A_151, %and3A_155 : i1
      %ne3A_157 = arith.cmpi ne, %add3A_72, %add3A_92 : i32
      %or3A_158 = arith.constant false
      %or3A_159 = arith.ori %or3A_158, %ne3A_157 : i1
      %or3A_160 = arith.constant false
      %or3A_161 = arith.ori %or3A_159, %or3A_160 : i1
      %or3A_162 = arith.ori %or3A_161, %eq3A_70 : i1
      %convert_element_type3A_163 = arith.extui %or3A_162 : i1 to i32
      %cond3A_164 = arith.constant 0 : i32
      %cond3A_165 = arith.cmpi ne, %convert_element_type3A_163, %cond3A_164 : i32
      scf.if %cond3A_165 {
        "tpu.trace_start"() <{level = 10 : i32, message = "ep_copy_out"}> : () -> ()
        %rem3A_271 = arith.constant 2 : i32
        %rem3A_272 = arith.remui %scan3A_63, %rem3A_271 : i32
        %mul3A_273 = arith.constant 128 : i32
        %mul3A_274 = arith.muli %mul3A_273, %add3A_72 : i32
        %dma_start3A_275 = arith.constant 0 : i32
        %dma_start3A_276 = arith.constant 0 : i32
        %dma_start3A_277 = tpu.memref_slice %run_scoped3A_8[%rem3A_272, %dma_start3A_275, %dma_start3A_276] : memref<2x128x384xi32, #tpu.memory_space<vmem>> -> memref<1x128x384xi32, #tpu.memory_space<vmem>>
        %dma_start3A_278 = tpu.memref_squeeze %dma_start3A_277 : memref<1x128x384xi32, #tpu.memory_space<vmem>> -> memref<128x384xi32, #tpu.memory_space<vmem>>
        %dma_start3A_279 = arith.constant 0 : i32
        %dma_start3A_280 = tpu.memref_slice %arg4[%mul3A_274, %dma_start3A_279] : memref<4096x384xi32, #tpu.memory_space<hbm>> -> memref<128x384xi32, #tpu.memory_space<hbm>>
        %dma_start3A_281 = tpu.memref_slice %run_scoped3A_9[%rem3A_272] : memref<2x!tpu.dma_semaphore, #tpu.memory_space<semaphore_mem>> -> memref<1x!tpu.dma_semaphore, #tpu.memory_space<semaphore_mem>>
        %dma_start3A_282 = tpu.memref_squeeze %dma_start3A_281 : memref<1x!tpu.dma_semaphore, #tpu.memory_space<semaphore_mem>> -> memref<!tpu.dma_semaphore, #tpu.memory_space<semaphore_mem>>
        %dma_start3A_283 = arith.constant 0 : i32
        %dma_start3A_284 = tpu.memref_slice %arg4[%mul3A_274, %dma_start3A_283] : memref<4096x384xi32, #tpu.memory_space<hbm>> -> memref<128x384xi32, #tpu.memory_space<hbm>>
        %dma_start3A_285 = arith.constant 0 : i32
        %dma_start3A_286 = arith.constant 0 : i32
        %dma_start3A_287 = tpu.memref_slice %run_scoped3A_8[%rem3A_272, %dma_start3A_285, %dma_start3A_286] : memref<2x128x384xi32, #tpu.memory_space<vmem>> -> memref<1x128x384xi32, #tpu.memory_space<vmem>>
        %dma_start3A_288 = tpu.memref_squeeze %dma_start3A_287 : memref<1x128x384xi32, #tpu.memory_space<vmem>> -> memref<128x384xi32, #tpu.memory_space<vmem>>
        tpu.enqueue_dma source(%dma_start3A_288 : memref<128x384xi32, #tpu.memory_space<vmem>>) target(%dma_start3A_284 : memref<128x384xi32, #tpu.memory_space<hbm>>) target_semaphore(%dma_start3A_282 : memref<!tpu.dma_semaphore, #tpu.memory_space<semaphore_mem>>)
        "tpu.trace_stop"() : () -> ()
      } else {
      }
      %and3A_166 = arith.constant true
      %and3A_167 = arith.andi %or3A_162, %and3A_166 : i1
      %add3A_168 = arith.constant 1 : i32
      %add3A_169 = arith.addi %scan3A_63, %add3A_168 : i32
      %select_n3A_170 = arith.select %and3A_167, %add3A_169, %scan3A_63 : i32
      %ne3A_171 = arith.cmpi ne, %add3A_72, %add3A_82 : i32
      %or3A_172 = arith.constant false
      %or3A_173 = arith.ori %or3A_172, %ne3A_171 : i1
      %not3A_174 = arith.constant true
      %not3A_175 = arith.xori %eq3A_68, %not3A_174 : i1
      %and3A_176 = arith.andi %or3A_173, %not3A_175 : i1
      %convert_element_type3A_177 = arith.extui %and3A_176 : i1 to i32
      %cond3A_178 = arith.constant 0 : i32
      %cond3A_179 = arith.cmpi ne, %convert_element_type3A_177, %cond3A_178 : i32
      scf.if %cond3A_179 {
      } else {
      }
      %and3A_180 = arith.constant false
      %and3A_181 = arith.andi %and3A_176, %and3A_180 : i1
      %ne3A_182 = arith.cmpi ne, %add3A_72, %add3A_82 : i32
      %or3A_183 = arith.constant false
      %or3A_184 = arith.ori %or3A_183, %ne3A_182 : i1
      %or3A_185 = arith.constant false
      %or3A_186 = arith.ori %or3A_184, %or3A_185 : i1
      %not3A_187 = arith.constant true
      %not3A_188 = arith.xori %eq3A_68, %not3A_187 : i1
      %and3A_189 = arith.andi %or3A_186, %not3A_188 : i1
      %convert_element_type3A_190 = arith.extui %and3A_189 : i1 to i32
      %cond3A_191 = arith.constant 0 : i32
      %cond3A_192 = arith.cmpi ne, %convert_element_type3A_190, %cond3A_191 : i32
      scf.if %cond3A_192 {
        "tpu.trace_start"() <{level = 10 : i32, message = "ep_wait_out"}> : () -> ()
        %rem3A_271 = arith.constant 2 : i32
        %rem3A_272 = arith.remui %scan3A_64, %rem3A_271 : i32
        %mul3A_273 = arith.constant 128 : i32
        %mul3A_274 = arith.muli %mul3A_273, %add3A_82 : i32
        %dma_wait3A_275 = arith.constant 0 : i32
        %dma_wait3A_276 = arith.constant 0 : i32
        %dma_wait3A_277 = tpu.memref_slice %run_scoped3A_8[%rem3A_272, %dma_wait3A_275, %dma_wait3A_276] : memref<2x128x384xi32, #tpu.memory_space<vmem>> -> memref<1x128x384xi32, #tpu.memory_space<vmem>>
        %dma_wait3A_278 = tpu.memref_squeeze %dma_wait3A_277 : memref<1x128x384xi32, #tpu.memory_space<vmem>> -> memref<128x384xi32, #tpu.memory_space<vmem>>
        %dma_wait3A_279 = arith.constant 0 : i32
        %dma_wait3A_280 = tpu.memref_slice %arg4[%mul3A_274, %dma_wait3A_279] : memref<4096x384xi32, #tpu.memory_space<hbm>> -> memref<128x384xi32, #tpu.memory_space<hbm>>
        %dma_wait3A_281 = tpu.memref_slice %run_scoped3A_9[%rem3A_272] : memref<2x!tpu.dma_semaphore, #tpu.memory_space<semaphore_mem>> -> memref<1x!tpu.dma_semaphore, #tpu.memory_space<semaphore_mem>>
        %dma_wait3A_282 = tpu.memref_squeeze %dma_wait3A_281 : memref<1x!tpu.dma_semaphore, #tpu.memory_space<semaphore_mem>> -> memref<!tpu.dma_semaphore, #tpu.memory_space<semaphore_mem>>
        %dma_wait3A_283 = arith.constant 0 : i32
        %dma_wait3A_284 = tpu.memref_slice %arg4[%mul3A_274, %dma_wait3A_283] : memref<4096x384xi32, #tpu.memory_space<hbm>> -> memref<128x384xi32, #tpu.memory_space<hbm>>
        %dma_wait3A_285 = arith.constant 0 : i32
        %dma_wait3A_286 = arith.constant 0 : i32
        %dma_wait3A_287 = tpu.memref_slice %run_scoped3A_8[%rem3A_272, %dma_wait3A_285, %dma_wait3A_286] : memref<2x128x384xi32, #tpu.memory_space<vmem>> -> memref<1x128x384xi32, #tpu.memory_space<vmem>>
        %dma_wait3A_288 = tpu.memref_squeeze %dma_wait3A_287 : memref<1x128x384xi32, #tpu.memory_space<vmem>> -> memref<128x384xi32, #tpu.memory_space<vmem>>
        tpu.wait_dma2 semaphore(%dma_wait3A_282 : memref<!tpu.dma_semaphore, #tpu.memory_space<semaphore_mem>>) src(%dma_wait3A_288 : memref<128x384xi32, #tpu.memory_space<vmem>>) dst(%dma_wait3A_284 : memref<128x384xi32, #tpu.memory_space<hbm>>)
        "tpu.trace_stop"() : () -> ()
      } else {
      }
      %and3A_193 = arith.constant true
      %and3A_194 = arith.andi %and3A_189, %and3A_193 : i1
      %add3A_195 = arith.constant 1 : i32
      %add3A_196 = arith.addi %scan3A_64, %add3A_195 : i32
      %select_n3A_197 = arith.select %and3A_194, %add3A_196, %scan3A_64 : i32
      %ne3A_198 = arith.cmpi ne, %add3A_72, %add3A_92 : i32
      %or3A_199 = arith.constant false
      %or3A_200 = arith.ori %or3A_199, %ne3A_198 : i1
      %or3A_201 = arith.ori %or3A_200, %eq3A_70 : i1
      %add3A_202 = arith.constant 1 : i32
      %add3A_203 = arith.addi %scan3A, %add3A_202 : i32
      %select_n3A_204 = arith.select %or3A_201, %add3A_203, %scan3A : i32
      %select_n3A_205 = arith.constant true
      %select_n3A_206 = arith.constant 0 : i32
      %select_n3A_207 = arith.constant 1 : i32
      %select_n3A_208 = arith.select %select_n3A_205, %select_n3A_207, %select_n3A_206 : i32
      %eq3A_209 = arith.constant 1 : i32
      %eq3A_210 = arith.cmpi eq, %select_n3A_208, %eq3A_209 : i32
      %select_n3A_211 = arith.constant 0 : i32
      %select_n3A_212 = arith.select %eq3A_210, %select_n3A_211, %select_n3A_208 : i32
      %scan3A_213 = arith.constant 0 : i32
      %scan3A_214 = arith.constant 1 : i32
      %sub3A = arith.constant 1 : i32
      %sub3A_215 = arith.subi %scan3A_213, %sub3A : i32
      %select_n3A_216 = arith.constant true
      %select_n3A_217 = arith.select %select_n3A_216, %sub3A_215, %scan3A_213 : i32
      %eq3A_218 = arith.constant -1 : i32
      %eq3A_219 = arith.cmpi eq, %select_n3A_217, %eq3A_218 : i32
      %select_n3A_220 = arith.constant 0 : i32
      %select_n3A_221 = arith.select %eq3A_219, %select_n3A_220, %select_n3A_217 : i32
      %add3A_222 = arith.constant 0 : i32
      %add3A_223 = arith.addi %add3A_222, %mul3A_6 : i32
      %select_n3A_224 = arith.constant true
      %select_n3A_225 = arith.constant 0 : i32
      %select_n3A_226 = arith.constant -1 : i32
      %select_n3A_227 = arith.select %select_n3A_224, %select_n3A_226, %select_n3A_225 : i32
      %eq3A_228 = arith.constant -1 : i32
      %eq3A_229 = arith.cmpi eq, %select_n3A_227, %eq3A_228 : i32
      %select_n3A_230 = arith.constant 0 : i32
      %select_n3A_231 = arith.select %eq3A_229, %select_n3A_230, %select_n3A_227 : i32
      %add3A_232 = arith.constant 0 : i32
      %add3A_233 = arith.addi %add3A_232, %mul3A_6 : i32
      %select_n3A_234 = arith.constant true
      %select_n3A_235 = arith.constant 0 : i32
      %select_n3A_236 = arith.constant 1 : i32
      %select_n3A_237 = arith.select %select_n3A_234, %select_n3A_236, %select_n3A_235 : i32
      %eq3A_238 = arith.constant 1 : i32
      %eq3A_239 = arith.cmpi eq, %select_n3A_237, %eq3A_238 : i32
      %select_n3A_240 = arith.constant 0 : i32
      %select_n3A_241 = arith.select %eq3A_239, %select_n3A_240, %select_n3A_237 : i32
      %add3A_242 = arith.constant 0 : i32
      %add3A_243 = arith.addi %add3A_242, %mul3A_6 : i32
      %select_n3A_244 = arith.constant true
      %select_n3A_245 = arith.constant 0 : i32
      %select_n3A_246 = arith.constant 1 : i32
      %select_n3A_247 = arith.select %select_n3A_244, %select_n3A_246, %select_n3A_245 : i32
      %eq3A_248 = arith.constant 1 : i32
      %eq3A_249 = arith.cmpi eq, %select_n3A_247, %eq3A_248 : i32
      %select_n3A_250 = arith.constant 0 : i32
      %select_n3A_251 = arith.select %eq3A_249, %select_n3A_250, %select_n3A_247 : i32
      %add3A_252 = arith.constant 0 : i32
      %add3A_253 = arith.addi %add3A_252, %mul3A_6 : i32
      "tpu.trace_start"() <{level = 10 : i32, message = "ep_finalize"}> : () -> ()
      %rem3A_254 = arith.constant 2 : i32
      %rem3A_255 = arith.remui %select_n3A_197, %rem3A_254 : i32
      %mul3A_256 = arith.constant 128 : i32
      %mul3A_257 = arith.muli %mul3A_256, %add3A_223 : i32
      %dma_wait3A = arith.constant 0 : i32
      %dma_wait3A_258 = arith.constant 0 : i32
      %dma_wait3A_259 = tpu.memref_slice %run_scoped3A_8[%rem3A_255, %dma_wait3A, %dma_wait3A_258] : memref<2x128x384xi32, #tpu.memory_space<vmem>> -> memref<1x128x384xi32, #tpu.memory_space<vmem>>
      %dma_wait3A_260 = tpu.memref_squeeze %dma_wait3A_259 : memref<1x128x384xi32, #tpu.memory_space<vmem>> -> memref<128x384xi32, #tpu.memory_space<vmem>>
      %dma_wait3A_261 = arith.constant 0 : i32
      %dma_wait3A_262 = tpu.memref_slice %arg4[%mul3A_257, %dma_wait3A_261] : memref<4096x384xi32, #tpu.memory_space<hbm>> -> memref<128x384xi32, #tpu.memory_space<hbm>>
      %dma_wait3A_263 = tpu.memref_slice %run_scoped3A_9[%rem3A_255] : memref<2x!tpu.dma_semaphore, #tpu.memory_space<semaphore_mem>> -> memref<1x!tpu.dma_semaphore, #tpu.memory_space<semaphore_mem>>
      %dma_wait3A_264 = tpu.memref_squeeze %dma_wait3A_263 : memref<1x!tpu.dma_semaphore, #tpu.memory_space<semaphore_mem>> -> memref<!tpu.dma_semaphore, #tpu.memory_space<semaphore_mem>>
      %dma_wait3A_265 = arith.constant 0 : i32
      %dma_wait3A_266 = tpu.memref_slice %arg4[%mul3A_257, %dma_wait3A_265] : memref<4096x384xi32, #tpu.memory_space<hbm>> -> memref<128x384xi32, #tpu.memory_space<hbm>>
      %dma_wait3A_267 = arith.constant 0 : i32
      %dma_wait3A_268 = arith.constant 0 : i32
      %dma_wait3A_269 = tpu.memref_slice %run_scoped3A_8[%rem3A_255, %dma_wait3A_267, %dma_wait3A_268] : memref<2x128x384xi32, #tpu.memory_space<vmem>> -> memref<1x128x384xi32, #tpu.memory_space<vmem>>
      %dma_wait3A_270 = tpu.memref_squeeze %dma_wait3A_269 : memref<1x128x384xi32, #tpu.memory_space<vmem>> -> memref<128x384xi32, #tpu.memory_space<vmem>>
      tpu.wait_dma2 semaphore(%dma_wait3A_264 : memref<!tpu.dma_semaphore, #tpu.memory_space<semaphore_mem>>) src(%dma_wait3A_270 : memref<128x384xi32, #tpu.memory_space<vmem>>) dst(%dma_wait3A_266 : memref<128x384xi32, #tpu.memory_space<hbm>>)
      "tpu.trace_stop"() : () -> ()
      tpu.yield
    }) : () -> ()
    return
  }
}

module attributes {stable_mosaic.version = 14 : i64} {
  func.func @_router_body(%arg0: memref<2048x768xf32, #tpu.memory_space<vmem>>, %arg1: memref<8x768xf32, #tpu.memory_space<vmem>>, %arg2: memref<2048x2xi32, #tpu.memory_space<vmem>>, %arg3: memref<2048x2xf32, #tpu.memory_space<vmem>>, %arg4: memref<2x128xi32, #tpu.memory_space<vmem>>, %arg5: memref<2048x384xi32, #tpu.memory_space<vmem>>) attributes {dimension_semantics = [], scalar_prefetch = 0 : i64, scratch_operands = 0 : i64, tpu.core_type = #tpu.core_type<tc>} {
    %get3A = arith.constant 0 : index
    %get3A_0 = arith.constant 0 : index
    %get3A_1 = vector.load %arg0[%get3A, %get3A_0] : memref<2048x768xf32, #tpu.memory_space<vmem>>, vector<2048x768xf32>
    %convert_element_type3A = arith.truncf %get3A_1 : vector<2048x768xf32> to vector<2048x768xbf16>
    %slice3A = vector.extract_strided_slice %convert_element_type3A {offsets = [0, 0], sizes = [2048, 384], strides = [1, 1]} : vector<2048x768xbf16> to vector<2048x384xbf16>
    %bitcast_convert_type3A = tpu.bitcast %slice3A : vector<2048x384xbf16> -> vector<2048x384xi16>
    %slice3A_2 = vector.extract_strided_slice %convert_element_type3A {offsets = [0, 384], sizes = [2048, 384], strides = [1, 1]} : vector<2048x768xbf16> to vector<2048x384xbf16>
    %bitcast_convert_type3A_3 = tpu.bitcast %slice3A_2 : vector<2048x384xbf16> -> vector<2048x384xi16>
    %convert_element_type3A_4 = arith.extui %bitcast_convert_type3A : vector<2048x384xi16> to vector<2048x384xi32>
    %shift_left3A = arith.constant 16 : i32
    %shift_left3A_5 = vector.broadcast %shift_left3A : i32 to vector<2048x384xi32>
    %shift_left3A_6 = arith.shli %convert_element_type3A_4, %shift_left3A_5 : vector<2048x384xi32>
    %convert_element_type3A_7 = arith.extui %bitcast_convert_type3A_3 : vector<2048x384xi16> to vector<2048x384xi32>
    %or3A = arith.ori %shift_left3A_6, %convert_element_type3A_7 : vector<2048x384xi32>
    %bitcast_convert_type3A_8 = tpu.bitcast %or3A : vector<2048x384xi32> -> vector<2048x384xi32>
    %swap3A = arith.constant 0 : index
    %swap3A_9 = arith.constant 0 : index
    %swap3A_10 = vector.load %arg5[%swap3A, %swap3A_9] : memref<2048x384xi32, #tpu.memory_space<vmem>>, vector<2048x384xi32>
    tpu.vector_store %arg5[%swap3A, %swap3A_9], %bitcast_convert_type3A_8 {strides = array<i32>} : memref<2048x384xi32, #tpu.memory_space<vmem>>, vector<2048x384xi32>,
    %get3A_11 = arith.constant 0 : index
    %get3A_12 = arith.constant 0 : index
    %get3A_13 = vector.load %arg1[%get3A_11, %get3A_12] : memref<8x768xf32, #tpu.memory_space<vmem>>, vector<8x768xf32>
    %dot_general3A = arith.constant dense<0.000000e+00> : vector<2048x8xf32>
    %dot_general3A_14 = tpu.matmul %get3A_1, %get3A_13, %dot_general3A {dimension_numbers = #tpu.dot_dimension_numbers<[1], [1], [0], [0], [0, 0, 1, 0], [], []>, transpose_lhs_hint = false} : vector<2048x768xf32>, vector<8x768xf32>, vector<2048x8xf32> -> vector<2048x8xf32>
    %reduce_max3A = arith.constant dense<0xFF800000> : vector<2048xf32>
    %reduce_max3A_15 = vector.multi_reduction <maximumf>, %dot_general3A_14, %reduce_max3A [1] : vector<2048x8xf32> to vector<2048xf32>
    %broadcast_in_dim3A = vector.shape_cast %reduce_max3A_15 : vector<2048xf32> to vector<2048x1xf32>
    %sub3A = vector.broadcast %broadcast_in_dim3A : vector<2048x1xf32> to vector<2048x8xf32>
    %sub3A_16 = arith.subf %dot_general3A_14, %sub3A : vector<2048x8xf32>
    %exp3A = math.exp %sub3A_16 : vector<2048x8xf32>
    %reduce_sum3A = arith.constant dense<0.000000e+00> : vector<2048xf32>
    %reduce_sum3A_17 = vector.multi_reduction <add>, %exp3A, %reduce_sum3A [1] : vector<2048x8xf32> to vector<2048xf32>
    %broadcast_in_dim3A_18 = vector.shape_cast %reduce_sum3A_17 : vector<2048xf32> to vector<2048x1xf32>
    %div3A = vector.broadcast %broadcast_in_dim3A_18 : vector<2048x1xf32> to vector<2048x8xf32>
    %div3A_19 = arith.divf %exp3A, %div3A : vector<2048x8xf32>
    %iota3A = tpu.iota {dimensions = array<i32: 1>} : vector<2048x8xi32>
    %reduce_max3A_20 = arith.constant dense<0xFF800000> : vector<2048xf32>
    %reduce_max3A_21 = vector.multi_reduction <maximumf>, %div3A_19, %reduce_max3A_20 [1] : vector<2048x8xf32> to vector<2048xf32>
    %broadcast_in_dim3A_22 = vector.shape_cast %reduce_max3A_21 : vector<2048xf32> to vector<2048x1xf32>
    %eq3A = vector.broadcast %broadcast_in_dim3A_22 : vector<2048x1xf32> to vector<2048x8xf32>
    %eq3A_23 = arith.cmpf oeq, %div3A_19, %eq3A : vector<2048x8xf32>
    %jit3A = arith.constant 8 : i32
    %broadcast_in_dim3A_24 = vector.broadcast %jit3A : i32 to vector<2048x8xi32>
    %select_n3A = arith.select %eq3A_23, %iota3A, %broadcast_in_dim3A_24 : vector<2048x8xi1>, vector<2048x8xi32>
    %reduce_min3A = arith.constant dense<2147483647> : vector<2048xi32>
    %reduce_min3A_25 = vector.multi_reduction <minsi>, %select_n3A, %reduce_min3A [1] : vector<2048x8xi32> to vector<2048xi32>
    %broadcast_in_dim3A_26 = vector.shape_cast %reduce_min3A_25 : vector<2048xi32> to vector<2048x1xi32>
    %eq3A_27 = vector.broadcast %broadcast_in_dim3A_26 : vector<2048x1xi32> to vector<2048x8xi32>
    %eq3A_28 = arith.cmpi eq, %iota3A, %eq3A_27 : vector<2048x8xi32>
    %jit3A_29 = arith.constant -1.000000e+00 : f32
    %broadcast_in_dim3A_30 = vector.broadcast %jit3A_29 : f32 to vector<2048x8xf32>
    %select_n3A_31 = arith.select %eq3A_28, %broadcast_in_dim3A_30, %div3A_19 : vector<2048x8xi1>, vector<2048x8xf32>
    %reduce_max3A_32 = arith.constant dense<0xFF800000> : vector<2048xf32>
    %reduce_max3A_33 = vector.multi_reduction <maximumf>, %select_n3A_31, %reduce_max3A_32 [1] : vector<2048x8xf32> to vector<2048xf32>
    %broadcast_in_dim3A_34 = vector.shape_cast %reduce_max3A_33 : vector<2048xf32> to vector<2048x1xf32>
    %eq3A_35 = vector.broadcast %broadcast_in_dim3A_34 : vector<2048x1xf32> to vector<2048x8xf32>
    %eq3A_36 = arith.cmpf oeq, %select_n3A_31, %eq3A_35 : vector<2048x8xf32>
    %jit3A_37 = arith.constant 8 : i32
    %broadcast_in_dim3A_38 = vector.broadcast %jit3A_37 : i32 to vector<2048x8xi32>
    %select_n3A_39 = arith.select %eq3A_36, %iota3A, %broadcast_in_dim3A_38 : vector<2048x8xi1>, vector<2048x8xi32>
    %reduce_min3A_40 = arith.constant dense<2147483647> : vector<2048xi32>
    %reduce_min3A_41 = vector.multi_reduction <minsi>, %select_n3A_39, %reduce_min3A_40 [1] : vector<2048x8xi32> to vector<2048xi32>
    %broadcast_in_dim3A_42 = vector.shape_cast %reduce_min3A_41 : vector<2048xi32> to vector<2048x1xi32>
    %add3A = arith.addf %broadcast_in_dim3A_22, %broadcast_in_dim3A_34 : vector<2048x1xf32>
    %add3A_43 = arith.constant 9.99999971E-10 : f32
    %add3A_44 = vector.broadcast %add3A_43 : f32 to vector<2048x1xf32>
    %add3A_45 = arith.addf %add3A, %add3A_44 : vector<2048x1xf32>
    %div3A_46 = arith.divf %broadcast_in_dim3A_22, %add3A_45 : vector<2048x1xf32>
    %div3A_47 = arith.divf %broadcast_in_dim3A_34, %add3A_45 : vector<2048x1xf32>
    %concatenate3A = tpu.concatenate %div3A_46, %div3A_47 in 1 : vector<2048x1xf32>, vector<2048x1xf32> -> vector<2048x2xf32>
    %swap3A_48 = arith.constant 0 : index
    %swap3A_49 = arith.constant 0 : index
    %swap3A_50 = vector.load %arg3[%swap3A_48, %swap3A_49] : memref<2048x2xf32, #tpu.memory_space<vmem>>, vector<2048x2xf32>
    tpu.vector_store %arg3[%swap3A_48, %swap3A_49], %concatenate3A {strides = array<i32>} : memref<2048x2xf32, #tpu.memory_space<vmem>>, vector<2048x2xf32>,
    %eq3A_51 = vector.broadcast %broadcast_in_dim3A_26 : vector<2048x1xi32> to vector<2048x8xi32>
    %eq3A_52 = arith.cmpi eq, %iota3A, %eq3A_51 : vector<2048x8xi32>
    %convert_element_type3A_53 = arith.extui %eq3A_52 : vector<2048x8xi1> to vector<2048x8xi32>
    %convert_element_type3A_54 = arith.sitofp %convert_element_type3A_53 : vector<2048x8xi32> to vector<2048x8xf32>
    %eq3A_55 = vector.broadcast %broadcast_in_dim3A_42 : vector<2048x1xi32> to vector<2048x8xi32>
    %eq3A_56 = arith.cmpi eq, %iota3A, %eq3A_55 : vector<2048x8xi32>
    %convert_element_type3A_57 = arith.extui %eq3A_56 : vector<2048x8xi1> to vector<2048x8xi32>
    %convert_element_type3A_58 = arith.sitofp %convert_element_type3A_57 : vector<2048x8xi32> to vector<2048x8xf32>
    %add3A_59 = arith.addf %convert_element_type3A_54, %convert_element_type3A_58 : vector<2048x8xf32>
    %reshape3A = vector.shape_cast %add3A_59 : vector<2048x8xf32> to vector<16x128x8xf32>
    %iota3A_60 = tpu.iota {dimensions = array<i32: 0>} : vector<128x128xi32>
    %iota3A_61 = tpu.iota {dimensions = array<i32: 1>} : vector<128x128xi32>
    %gt3A = arith.cmpi sgt, %iota3A_60, %iota3A_61 : vector<128x128xi32>
    %convert_element_type3A_62 = arith.extui %gt3A : vector<128x128xi1> to vector<128x128xi32>
    %convert_element_type3A_63 = arith.sitofp %convert_element_type3A_62 : vector<128x128xi32> to vector<128x128xf32>
    %convert_element_type3A_64 = arith.truncf %convert_element_type3A_63 : vector<128x128xf32> to vector<128x128xbf16>
    %broadcast_in_dim3A_65 = vector.shape_cast %convert_element_type3A_64 : vector<128x128xbf16> to vector<1x128x128xbf16>
    %broadcast_in_dim3A_66 = vector.shape_cast %broadcast_in_dim3A_65 : vector<1x128x128xbf16> to vector<1x128x128xbf16>
    %broadcast_in_dim3A_67 = vector.broadcast %broadcast_in_dim3A_66 : vector<1x128x128xbf16> to vector<16x128x128xbf16>
    %convert_element_type3A_68 = arith.truncf %reshape3A : vector<16x128x8xf32> to vector<16x128x8xbf16>
    %dot_general3A_69 = arith.constant dense<0.000000e+00> : vector<16x128x8xf32>
    %dot_general3A_70 = tpu.matmul %broadcast_in_dim3A_67, %convert_element_type3A_68, %dot_general3A_69 {dimension_numbers = #tpu.dot_dimension_numbers<[2], [1], [1], [2], [0, 0, 0, 1, 1, 2], [0], [0]>, transpose_lhs_hint = false} : vector<16x128x128xbf16>, vector<16x128x8xbf16>, vector<16x128x8xf32> -> vector<16x128x8xf32>
    %reduce_sum3A_71 = arith.constant dense<0.000000e+00> : vector<16x8xf32>
    %reduce_sum3A_72 = vector.multi_reduction <add>, %reshape3A, %reduce_sum3A_71 [1] : vector<16x128x8xf32> to vector<16x8xf32>
    %iota3A_73 = tpu.iota {dimensions = array<i32: 0>} : vector<16x16xi32>
    %iota3A_74 = tpu.iota {dimensions = array<i32: 1>} : vector<16x16xi32>
    %gt3A_75 = arith.cmpi sgt, %iota3A_73, %iota3A_74 : vector<16x16xi32>
    %convert_element_type3A_76 = arith.extui %gt3A_75 : vector<16x16xi1> to vector<16x16xi32>
    %convert_element_type3A_77 = arith.sitofp %convert_element_type3A_76 : vector<16x16xi32> to vector<16x16xf32>
    %dot_general3A_78 = arith.constant dense<0.000000e+00> : vector<16x8xf32>
    %dot_general3A_79 = tpu.matmul %convert_element_type3A_77, %reduce_sum3A_72, %dot_general3A_78 {dimension_numbers = #tpu.dot_dimension_numbers<[1], [0], [0], [1], [0, 0, 1, 1], [], []>, precision = #tpu.contract_precision<fp32>, transpose_lhs_hint = false} : vector<16x16xf32>, vector<16x8xf32>, vector<16x8xf32> -> vector<16x8xf32>
    %broadcast_in_dim3A_80 = vector.shape_cast %dot_general3A_79 : vector<16x8xf32> to vector<16x1x8xf32>
    %add3A_81 = vector.broadcast %broadcast_in_dim3A_80 : vector<16x1x8xf32> to vector<16x128x8xf32>
    %add3A_82 = arith.addf %dot_general3A_70, %add3A_81 : vector<16x128x8xf32>
    %reshape3A_83 = vector.shape_cast %add3A_82 : vector<16x128x8xf32> to vector<2048x8xf32>
    %reduce_sum3A_84 = arith.constant dense<0.000000e+00> : vector<8xf32>
    %reduce_sum3A_85 = vector.multi_reduction <add>, %add3A_59, %reduce_sum3A_84 [0] : vector<2048x8xf32> to vector<8xf32>
    %broadcast_in_dim3A_86 = vector.shape_cast %reduce_sum3A_85 : vector<8xf32> to vector<1x8xf32>
    %mul3A = arith.constant 3.906250e-03 : f32
    %mul3A_87 = vector.broadcast %mul3A : f32 to vector<1x8xf32>
    %mul3A_88 = arith.mulf %broadcast_in_dim3A_86, %mul3A_87 : vector<1x8xf32>
    %ceil3A = math.ceil %mul3A_88 : vector<1x8xf32>
    %mul3A_89 = arith.constant 2.560000e+02 : f32
    %mul3A_90 = vector.broadcast %mul3A_89 : f32 to vector<1x8xf32>
    %mul3A_91 = arith.mulf %ceil3A, %mul3A_90 : vector<1x8xf32>
    %iota3A_92 = tpu.iota {dimensions = array<i32: 0>} : vector<8x8xi32>
    %iota3A_93 = tpu.iota {dimensions = array<i32: 1>} : vector<8x8xi32>
    %lt3A = arith.cmpi slt, %iota3A_92, %iota3A_93 : vector<8x8xi32>
    %convert_element_type3A_94 = arith.extui %lt3A : vector<8x8xi1> to vector<8x8xi32>
    %convert_element_type3A_95 = arith.sitofp %convert_element_type3A_94 : vector<8x8xi32> to vector<8x8xf32>
    %dot_general3A_96 = arith.constant dense<0.000000e+00> : vector<1x8xf32>
    %dot_general3A_97 = tpu.matmul %mul3A_91, %convert_element_type3A_95, %dot_general3A_96 {dimension_numbers = #tpu.dot_dimension_numbers<[1], [0], [0], [1], [0, 0, 1, 1], [], []>, precision = #tpu.contract_precision<fp32>, transpose_lhs_hint = false} : vector<1x8xf32>, vector<8x8xf32>, vector<1x8xf32> -> vector<1x8xf32>
    %mul3A_98 = arith.mulf %reshape3A_83, %convert_element_type3A_54 : vector<2048x8xf32>
    %reduce_sum3A_99 = arith.constant dense<0.000000e+00> : vector<2048xf32>
    %reduce_sum3A_100 = vector.multi_reduction <add>, %mul3A_98, %reduce_sum3A_99 [1] : vector<2048x8xf32> to vector<2048xf32>
    %broadcast_in_dim3A_101 = vector.shape_cast %reduce_sum3A_100 : vector<2048xf32> to vector<2048x1xf32>
    %mul3A_102 = arith.mulf %reshape3A_83, %convert_element_type3A_58 : vector<2048x8xf32>
    %reduce_sum3A_103 = arith.constant dense<0.000000e+00> : vector<2048xf32>
    %reduce_sum3A_104 = vector.multi_reduction <add>, %mul3A_102, %reduce_sum3A_103 [1] : vector<2048x8xf32> to vector<2048xf32>
    %broadcast_in_dim3A_105 = vector.shape_cast %reduce_sum3A_104 : vector<2048xf32> to vector<2048x1xf32>
    %mul3A_106 = vector.broadcast %dot_general3A_97 : vector<1x8xf32> to vector<2048x8xf32>
    %mul3A_107 = arith.mulf %mul3A_106, %convert_element_type3A_54 : vector<2048x8xf32>
    %reduce_sum3A_108 = arith.constant dense<0.000000e+00> : vector<2048xf32>
    %reduce_sum3A_109 = vector.multi_reduction <add>, %mul3A_107, %reduce_sum3A_108 [1] : vector<2048x8xf32> to vector<2048xf32>
    %broadcast_in_dim3A_110 = vector.shape_cast %reduce_sum3A_109 : vector<2048xf32> to vector<2048x1xf32>
    %mul3A_111 = vector.broadcast %dot_general3A_97 : vector<1x8xf32> to vector<2048x8xf32>
    %mul3A_112 = arith.mulf %mul3A_111, %convert_element_type3A_58 : vector<2048x8xf32>
    %reduce_sum3A_113 = arith.constant dense<0.000000e+00> : vector<2048xf32>
    %reduce_sum3A_114 = vector.multi_reduction <add>, %mul3A_112, %reduce_sum3A_113 [1] : vector<2048x8xf32> to vector<2048xf32>
    %broadcast_in_dim3A_115 = vector.shape_cast %reduce_sum3A_114 : vector<2048xf32> to vector<2048x1xf32>
    %add3A_116 = arith.addf %broadcast_in_dim3A_110, %broadcast_in_dim3A_101 : vector<2048x1xf32>
    %add3A_117 = arith.addf %broadcast_in_dim3A_115, %broadcast_in_dim3A_105 : vector<2048x1xf32>
    %concatenate3A_118 = tpu.concatenate %add3A_116, %add3A_117 in 1 : vector<2048x1xf32>, vector<2048x1xf32> -> vector<2048x2xf32>
    %convert_element_type3A_119 = arith.fptosi %concatenate3A_118 : vector<2048x2xf32> to vector<2048x2xi32>
    %swap3A_120 = arith.constant 0 : index
    %swap3A_121 = arith.constant 0 : index
    %swap3A_122 = vector.load %arg2[%swap3A_120, %swap3A_121] : memref<2048x2xi32, #tpu.memory_space<vmem>>, vector<2048x2xi32>
    tpu.vector_store %arg2[%swap3A_120, %swap3A_121], %convert_element_type3A_119 {strides = array<i32>} : memref<2048x2xi32, #tpu.memory_space<vmem>>, vector<2048x2xi32>,
    %broadcast_in_dim3A_123 = arith.constant 1.000000e+00 : f32
    %broadcast_in_dim3A_124 = vector.broadcast %broadcast_in_dim3A_123 : f32 to vector<2048x1xf32>
    %dot_general3A_125 = arith.constant dense<0.000000e+00> : vector<8x1xf32>
    %dot_general3A_126 = tpu.matmul %add3A_59, %broadcast_in_dim3A_124, %dot_general3A_125 {dimension_numbers = #tpu.dot_dimension_numbers<[0], [0], [1], [1], [0, 1, 1, 1], [], []>, transpose_lhs_hint = false} : vector<2048x8xf32>, vector<2048x1xf32>, vector<8x1xf32> -> vector<8x1xf32>
    %mul3A_127 = arith.constant 3.906250e-03 : f32
    %mul3A_128 = vector.broadcast %mul3A_127 : f32 to vector<8x1xf32>
    %mul3A_129 = arith.mulf %dot_general3A_126, %mul3A_128 : vector<8x1xf32>
    %ceil3A_130 = math.ceil %mul3A_129 : vector<8x1xf32>
    %mul3A_131 = arith.constant 2.560000e+02 : f32
    %mul3A_132 = vector.broadcast %mul3A_131 : f32 to vector<8x1xf32>
    %mul3A_133 = arith.mulf %ceil3A_130, %mul3A_132 : vector<8x1xf32>
    %gt3A_134 = arith.cmpi sgt, %iota3A_92, %iota3A_93 : vector<8x8xi32>
    %convert_element_type3A_135 = arith.extui %gt3A_134 : vector<8x8xi1> to vector<8x8xi32>
    %convert_element_type3A_136 = arith.sitofp %convert_element_type3A_135 : vector<8x8xi32> to vector<8x8xf32>
    %dot_general3A_137 = arith.constant dense<0.000000e+00> : vector<8x1xf32>
    %dot_general3A_138 = tpu.matmul %convert_element_type3A_136, %mul3A_133, %dot_general3A_137 {dimension_numbers = #tpu.dot_dimension_numbers<[1], [0], [0], [1], [0, 0, 1, 1], [], []>, precision = #tpu.contract_precision<fp32>, transpose_lhs_hint = false} : vector<8x8xf32>, vector<8x1xf32>, vector<8x1xf32> -> vector<8x1xf32>
    %reduce_sum3A_139 = vector.shape_cast %mul3A_133 : vector<8x1xf32> to vector<1x8x1xf32>
    %reduce_sum3A_140 = arith.constant dense<0.000000e+00> : vector<1xf32>
    %reduce_sum3A_141 = vector.multi_reduction <add>, %reduce_sum3A_139, %reduce_sum3A_140 [1, 2] : vector<1x8x1xf32> to vector<1xf32>
    %reduce_sum3A_142 = vector.shape_cast %reduce_sum3A_141 : vector<1xf32> to vector<1x1x1xf32>
    %reduce_sum3A_143 = vector.extract %reduce_sum3A_142[0, 0, 0] : f32 from vector<1x1x1xf32>
    %iota3A_144 = tpu.iota {dimensions = array<i32: 1>} : vector<8x128xi32>
    %convert_element_type3A_145 = arith.sitofp %iota3A_144 : vector<8x128xi32> to vector<8x128xf32>
    %mul3A_146 = arith.constant 2.560000e+02 : f32
    %mul3A_147 = vector.broadcast %mul3A_146 : f32 to vector<8x128xf32>
    %mul3A_148 = arith.mulf %convert_element_type3A_145, %mul3A_147 : vector<8x128xf32>
    %sub3A_149 = arith.constant 2.560000e+02 : f32
    %sub3A_150 = arith.subf %reduce_sum3A_143, %sub3A_149 : f32
    %min3A = vector.broadcast %sub3A_150 : f32 to vector<8x128xf32>
    %min3A_151 = arith.minimumf %mul3A_148, %min3A : vector<8x128xf32>
    %ge3A = vector.broadcast %dot_general3A_138 : vector<8x1xf32> to vector<8x128xf32>
    %ge3A_152 = arith.cmpf oge, %min3A_151, %ge3A : vector<8x128xf32>
    %convert_element_type3A_153 = arith.extui %ge3A_152 : vector<8x128xi1> to vector<8x128xi32>
    %convert_element_type3A_154 = arith.sitofp %convert_element_type3A_153 : vector<8x128xi32> to vector<8x128xf32>
    %reduce_sum3A_155 = arith.constant dense<0.000000e+00> : vector<128xf32>
    %reduce_sum3A_156 = vector.multi_reduction <add>, %convert_element_type3A_154, %reduce_sum3A_155 [0] : vector<8x128xf32> to vector<128xf32>
    %broadcast_in_dim3A_157 = vector.shape_cast %reduce_sum3A_156 : vector<128xf32> to vector<1x128xf32>
    %sub3A_158 = arith.constant 1.000000e+00 : f32
    %sub3A_159 = vector.broadcast %sub3A_158 : f32 to vector<1x128xf32>
    %sub3A_160 = arith.subf %broadcast_in_dim3A_157, %sub3A_159 : vector<1x128xf32>
    %iota3A_161 = tpu.iota {dimensions = array<i32: 1>} : vector<1x128xi32>
    %convert_element_type3A_162 = arith.sitofp %iota3A_161 : vector<1x128xi32> to vector<1x128xf32>
    %mul3A_163 = arith.constant 2.560000e+02 : f32
    %mul3A_164 = vector.broadcast %mul3A_163 : f32 to vector<1x128xf32>
    %mul3A_165 = arith.mulf %convert_element_type3A_162, %mul3A_164 : vector<1x128xf32>
    %lt3A_166 = vector.broadcast %reduce_sum3A_143 : f32 to vector<1x128xf32>
    %lt3A_167 = arith.cmpf olt, %mul3A_165, %lt3A_166 : vector<1x128xf32>
    %convert_element_type3A_168 = arith.extui %lt3A_167 : vector<1x128xi1> to vector<1x128xi32>
    %convert_element_type3A_169 = arith.fptosi %sub3A_160 : vector<1x128xf32> to vector<1x128xi32>
    %concatenate3A_170 = tpu.concatenate %convert_element_type3A_169, %convert_element_type3A_168 in 0 : vector<1x128xi32>, vector<1x128xi32> -> vector<2x128xi32>
    %swap3A_171 = arith.constant 0 : index
    %swap3A_172 = arith.constant 0 : index
    %swap3A_173 = vector.load %arg4[%swap3A_171, %swap3A_172] : memref<2x128xi32, #tpu.memory_space<vmem>>, vector<2x128xi32>
    tpu.vector_store %arg4[%swap3A_171, %swap3A_172], %concatenate3A_170 {strides = array<i32>} : memref<2x128xi32, #tpu.memory_space<vmem>>, vector<2x128xi32>,
    return
  }
}

module attributes {stable_mosaic.version = 14 : i64} {
  func.func @_ffn_body(%arg0: i32, %arg1: memref<2x128xi32, #tpu.memory_space<smem>>, %arg2: memref<256x384xi32, #tpu.memory_space<vmem>>, %arg3: memref<1x768x2048xf32, #tpu.memory_space<vmem>>, %arg4: memref<1x1x2048xf32, #tpu.memory_space<vmem>>, %arg5: memref<1x2048x768xf32, #tpu.memory_space<vmem>>, %arg6: memref<1x1x768xf32, #tpu.memory_space<vmem>>, %arg7: memref<256x384xi32, #tpu.memory_space<vmem>>) attributes {dimension_semantics = [#tpu.dimension_semantics<arbitrary>], iteration_bounds = array<i64: 24>, scalar_prefetch = 1 : i64, scratch_operands = 0 : i64, tpu.core_type = #tpu.core_type<tc>, window_params = [{transform_indices = @transform_0, window_bounds = array<i64: 256, 384>}, {transform_indices = @transform_1, window_bounds = array<i64: 1, 768, 2048>}, {transform_indices = @transform_2, window_bounds = array<i64: 1, 1, 2048>}, {transform_indices = @transform_3, window_bounds = array<i64: 1, 2048, 768>}, {transform_indices = @transform_4, window_bounds = array<i64: 1, 1, 768>}, {transform_indices = @transform_5, window_bounds = array<i64: 256, 384>}]} {
    %get3A = arith.constant 1 : index
    %get3A_0 = arith.index_cast %arg0 : i32 to index
    %get3A_1 = memref.load %arg1[%get3A, %get3A_0] : memref<2x128xi32, #tpu.memory_space<smem>>
    %eq3A = arith.constant 1 : i32
    %eq3A_2 = arith.cmpi eq, %get3A_1, %eq3A : i32
    %convert_element_type3A = arith.extui %eq3A_2 : i1 to i32
    %cond3A = arith.constant 0 : i32
    %cond3A_3 = arith.cmpi ne, %convert_element_type3A, %cond3A : i32
    scf.if %cond3A_3 {
      %get3A_4 = arith.constant 0 : index
      %get3A_5 = arith.constant 0 : index
      %get3A_6 = vector.load %arg2[%get3A_4, %get3A_5] : memref<256x384xi32, #tpu.memory_space<vmem>>, vector<256x384xi32>
      %bitcast_convert_type3A = tpu.bitcast %get3A_6 : vector<256x384xi32> -> vector<256x384xi32>
      %shift_right_logical3A = arith.constant 16 : i32
      %shift_right_logical3A_7 = vector.broadcast %shift_right_logical3A : i32 to vector<256x384xi32>
      %shift_right_logical3A_8 = arith.shrui %bitcast_convert_type3A, %shift_right_logical3A_7 : vector<256x384xi32>
      %convert_element_type3A_9 = arith.trunci %shift_right_logical3A_8 : vector<256x384xi32> to vector<256x384xi16>
      %bitcast_convert_type3A_10 = tpu.bitcast %convert_element_type3A_9 : vector<256x384xi16> -> vector<256x384xbf16>
      %and3A = arith.constant 65535 : i32
      %and3A_11 = vector.broadcast %and3A : i32 to vector<256x384xi32>
      %and3A_12 = arith.andi %bitcast_convert_type3A, %and3A_11 : vector<256x384xi32>
      %convert_element_type3A_13 = arith.trunci %and3A_12 : vector<256x384xi32> to vector<256x384xi16>
      %bitcast_convert_type3A_14 = tpu.bitcast %convert_element_type3A_13 : vector<256x384xi16> -> vector<256x384xbf16>
      %get3A_15 = arith.constant 0 : index
      %get3A_16 = arith.constant 0 : index
      %get3A_17 = arith.constant 0 : index
      %get3A_18 = vector.load %arg3[%get3A_15, %get3A_16, %get3A_17] : memref<1x768x2048xf32, #tpu.memory_space<vmem>>, vector<1x768x2048xf32>
      %get3A_19 = vector.shape_cast %get3A_18 : vector<1x768x2048xf32> to vector<768x2048xf32>
      %convert_element_type3A_20 = arith.truncf %get3A_19 : vector<768x2048xf32> to vector<768x2048xbf16>
      %slice3A = vector.extract_strided_slice %convert_element_type3A_20 {offsets = [0, 0], sizes = [384, 2048], strides = [1, 1]} : vector<768x2048xbf16> to vector<384x2048xbf16>
      %dot_general3A = arith.constant dense<0.000000e+00> : vector<256x2048xf32>
      %dot_general3A_21 = tpu.matmul %bitcast_convert_type3A_10, %slice3A, %dot_general3A {dimension_numbers = #tpu.dot_dimension_numbers<[1], [0], [0], [1], [0, 0, 1, 1], [], []>, transpose_lhs_hint = false} : vector<256x384xbf16>, vector<384x2048xbf16>, vector<256x2048xf32> -> vector<256x2048xf32>
      %slice3A_22 = vector.extract_strided_slice %convert_element_type3A_20 {offsets = [384, 0], sizes = [384, 2048], strides = [1, 1]} : vector<768x2048xbf16> to vector<384x2048xbf16>
      %dot_general3A_23 = arith.constant dense<0.000000e+00> : vector<256x2048xf32>
      %dot_general3A_24 = tpu.matmul %bitcast_convert_type3A_14, %slice3A_22, %dot_general3A_23 {dimension_numbers = #tpu.dot_dimension_numbers<[1], [0], [0], [1], [0, 0, 1, 1], [], []>, transpose_lhs_hint = false} : vector<256x384xbf16>, vector<384x2048xbf16>, vector<256x2048xf32> -> vector<256x2048xf32>
      %add3A = arith.addf %dot_general3A_21, %dot_general3A_24 : vector<256x2048xf32>
      %get3A_25 = arith.constant 0 : index
      %get3A_26 = arith.constant 0 : index
      %get3A_27 = arith.constant 0 : index
      %get3A_28 = vector.load %arg4[%get3A_25, %get3A_26, %get3A_27] : memref<1x1x2048xf32, #tpu.memory_space<vmem>>, vector<1x1x2048xf32>
      %get3A_29 = vector.shape_cast %get3A_28 : vector<1x1x2048xf32> to vector<1x2048xf32>
      %add3A_30 = vector.broadcast %get3A_29 : vector<1x2048xf32> to vector<256x2048xf32>
      %add3A_31 = arith.addf %add3A, %add3A_30 : vector<256x2048xf32>
      %mul3A = arith.constant 5.000000e-01 : f32
      %mul3A_32 = vector.broadcast %mul3A : f32 to vector<256x2048xf32>
      %mul3A_33 = arith.mulf %mul3A_32, %add3A_31 : vector<256x2048xf32>
      %mul3A_34 = arith.constant 0.707106769 : f32
      %mul3A_35 = vector.broadcast %mul3A_34 : f32 to vector<256x2048xf32>
      %mul3A_36 = arith.mulf %add3A_31, %mul3A_35 : vector<256x2048xf32>
      %erf3A = math.erf %mul3A_36 : vector<256x2048xf32>
      %add3A_37 = arith.constant 1.000000e+00 : f32
      %add3A_38 = vector.broadcast %add3A_37 : f32 to vector<256x2048xf32>
      %add3A_39 = arith.addf %add3A_38, %erf3A : vector<256x2048xf32>
      %mul3A_40 = arith.mulf %mul3A_33, %add3A_39 : vector<256x2048xf32>
      %get3A_41 = arith.constant 0 : index
      %get3A_42 = arith.constant 0 : index
      %get3A_43 = arith.constant 0 : index
      %get3A_44 = vector.load %arg5[%get3A_41, %get3A_42, %get3A_43] : memref<1x2048x768xf32, #tpu.memory_space<vmem>>, vector<1x2048x768xf32>
      %get3A_45 = vector.shape_cast %get3A_44 : vector<1x2048x768xf32> to vector<2048x768xf32>
      %convert_element_type3A_46 = arith.truncf %get3A_45 : vector<2048x768xf32> to vector<2048x768xbf16>
      %convert_element_type3A_47 = arith.truncf %mul3A_40 : vector<256x2048xf32> to vector<256x2048xbf16>
      %dot_general3A_48 = arith.constant dense<0.000000e+00> : vector<256x768xf32>
      %dot_general3A_49 = tpu.matmul %convert_element_type3A_47, %convert_element_type3A_46, %dot_general3A_48 {dimension_numbers = #tpu.dot_dimension_numbers<[1], [0], [0], [1], [0, 0, 1, 1], [], []>, transpose_lhs_hint = false} : vector<256x2048xbf16>, vector<2048x768xbf16>, vector<256x768xf32> -> vector<256x768xf32>
      %get3A_50 = arith.constant 0 : index
      %get3A_51 = arith.constant 0 : index
      %get3A_52 = arith.constant 0 : index
      %get3A_53 = vector.load %arg6[%get3A_50, %get3A_51, %get3A_52] : memref<1x1x768xf32, #tpu.memory_space<vmem>>, vector<1x1x768xf32>
      %get3A_54 = vector.shape_cast %get3A_53 : vector<1x1x768xf32> to vector<1x768xf32>
      %add3A_55 = vector.broadcast %get3A_54 : vector<1x768xf32> to vector<256x768xf32>
      %add3A_56 = arith.addf %dot_general3A_49, %add3A_55 : vector<256x768xf32>
      %slice3A_57 = vector.extract_strided_slice %add3A_56 {offsets = [0, 0], sizes = [256, 384], strides = [1, 1]} : vector<256x768xf32> to vector<256x384xf32>
      %convert_element_type3A_58 = arith.truncf %slice3A_57 : vector<256x384xf32> to vector<256x384xbf16>
      %bitcast_convert_type3A_59 = tpu.bitcast %convert_element_type3A_58 : vector<256x384xbf16> -> vector<256x384xi16>
      %convert_element_type3A_60 = arith.extui %bitcast_convert_type3A_59 : vector<256x384xi16> to vector<256x384xi32>
      %slice3A_61 = vector.extract_strided_slice %add3A_56 {offsets = [0, 384], sizes = [256, 384], strides = [1, 1]} : vector<256x768xf32> to vector<256x384xf32>
      %convert_element_type3A_62 = arith.truncf %slice3A_61 : vector<256x384xf32> to vector<256x384xbf16>
      %bitcast_convert_type3A_63 = tpu.bitcast %convert_element_type3A_62 : vector<256x384xbf16> -> vector<256x384xi16>
      %convert_element_type3A_64 = arith.extui %bitcast_convert_type3A_63 : vector<256x384xi16> to vector<256x384xi32>
      %shift_left3A = arith.constant 16 : i32
      %shift_left3A_65 = vector.broadcast %shift_left3A : i32 to vector<256x384xi32>
      %shift_left3A_66 = arith.shli %convert_element_type3A_60, %shift_left3A_65 : vector<256x384xi32>
      %or3A = arith.ori %shift_left3A_66, %convert_element_type3A_64 : vector<256x384xi32>
      %bitcast_convert_type3A_67 = tpu.bitcast %or3A : vector<256x384xi32> -> vector<256x384xi32>
      %swap3A = arith.constant 0 : index
      %swap3A_68 = arith.constant 0 : index
      %swap3A_69 = vector.load %arg7[%swap3A, %swap3A_68] : memref<256x384xi32, #tpu.memory_space<vmem>>, vector<256x384xi32>
      tpu.vector_store %arg7[%swap3A, %swap3A_68], %bitcast_convert_type3A_67 {strides = array<i32>} : memref<256x384xi32, #tpu.memory_space<vmem>>, vector<256x384xi32>,
    } else {
    }
    return
  }
  func.func @transform_0(%arg0: i32, %arg1: memref<2x128xi32, #tpu.memory_space<smem>>) -> (i32, i32) {
    %c0_i32 = arith.constant 0 : i32
    %c0_i32_0 = arith.constant 0 : i32
    return %arg0, %c0_i32 : i32, i32
  }
  func.func @transform_1(%arg0: i32, %arg1: memref<2x128xi32, #tpu.memory_space<smem>>) -> (i32, i32, i32) {
    %get3A = arith.constant 0 : index
    %get3A_0 = arith.index_cast %arg0 : i32 to index
    %get3A_1 = memref.load %arg1[%get3A, %get3A_0] : memref<2x128xi32, #tpu.memory_space<smem>>
    %c0_i32 = arith.constant 0 : i32
    %c0_i32_2 = arith.constant 0 : i32
    %c0_i32_3 = arith.constant 0 : i32
    return %get3A_1, %c0_i32, %c0_i32_2 : i32, i32, i32
  }
  func.func @transform_2(%arg0: i32, %arg1: memref<2x128xi32, #tpu.memory_space<smem>>) -> (i32, i32, i32) {
    %get3A = arith.constant 0 : index
    %get3A_0 = arith.index_cast %arg0 : i32 to index
    %get3A_1 = memref.load %arg1[%get3A, %get3A_0] : memref<2x128xi32, #tpu.memory_space<smem>>
    %c0_i32 = arith.constant 0 : i32
    %c0_i32_2 = arith.constant 0 : i32
    %c0_i32_3 = arith.constant 0 : i32
    return %get3A_1, %c0_i32, %c0_i32_2 : i32, i32, i32
  }
  func.func @transform_3(%arg0: i32, %arg1: memref<2x128xi32, #tpu.memory_space<smem>>) -> (i32, i32, i32) {
    %get3A = arith.constant 0 : index
    %get3A_0 = arith.index_cast %arg0 : i32 to index
    %get3A_1 = memref.load %arg1[%get3A, %get3A_0] : memref<2x128xi32, #tpu.memory_space<smem>>
    %c0_i32 = arith.constant 0 : i32
    %c0_i32_2 = arith.constant 0 : i32
    %c0_i32_3 = arith.constant 0 : i32
    return %get3A_1, %c0_i32, %c0_i32_2 : i32, i32, i32
  }
  func.func @transform_4(%arg0: i32, %arg1: memref<2x128xi32, #tpu.memory_space<smem>>) -> (i32, i32, i32) {
    %get3A = arith.constant 0 : index
    %get3A_0 = arith.index_cast %arg0 : i32 to index
    %get3A_1 = memref.load %arg1[%get3A, %get3A_0] : memref<2x128xi32, #tpu.memory_space<smem>>
    %c0_i32 = arith.constant 0 : i32
    %c0_i32_2 = arith.constant 0 : i32
    %c0_i32_3 = arith.constant 0 : i32
    return %get3A_1, %c0_i32, %c0_i32_2 : i32, i32, i32
  }
  func.func @transform_5(%arg0: i32, %arg1: memref<2x128xi32, #tpu.memory_space<smem>>) -> (i32, i32) {
    %c0_i32 = arith.constant 0 : i32
    %c0_i32_0 = arith.constant 0 : i32
    return %arg0, %c0_i32 : i32, i32
  }
}

module attributes {stable_mosaic.version = 14 : i64} {
  func.func @_add_body(%arg0: i32, %arg1: memref<256x2xf32, #tpu.memory_space<vmem>>, %arg2: memref<256x384xi32, #tpu.memory_space<vmem>>, %arg3: memref<256x384xi32, #tpu.memory_space<vmem>>, %arg4: memref<256x768xf32, #tpu.memory_space<vmem>>) attributes {dimension_semantics = [#tpu.dimension_semantics<arbitrary>], iteration_bounds = array<i64: 8>, scalar_prefetch = 0 : i64, scratch_operands = 0 : i64, tpu.core_type = #tpu.core_type<tc>, window_params = [{transform_indices = @transform_0, window_bounds = array<i64: 256, 2>}, {transform_indices = @transform_1, window_bounds = array<i64: 256, 384>}, {transform_indices = @transform_2, window_bounds = array<i64: 256, 384>}, {transform_indices = @transform_3, window_bounds = array<i64: 256, 768>}]} {
    %get3A = arith.constant 0 : index
    %get3A_0 = arith.constant 0 : index
    %get3A_1 = vector.load %arg2[%get3A, %get3A_0] : memref<256x384xi32, #tpu.memory_space<vmem>>, vector<256x384xi32>
    %bitcast_convert_type3A = tpu.bitcast %get3A_1 : vector<256x384xi32> -> vector<256x384xi32>
    %get3A_2 = arith.constant 0 : index
    %get3A_3 = arith.constant 0 : index
    %get3A_4 = vector.load %arg3[%get3A_2, %get3A_3] : memref<256x384xi32, #tpu.memory_space<vmem>>, vector<256x384xi32>
    %bitcast_convert_type3A_5 = tpu.bitcast %get3A_4 : vector<256x384xi32> -> vector<256x384xi32>
    %get3A_6 = arith.constant 0 : index
    %get3A_7 = arith.constant 0 : index
    %get3A_8 = vector.load %arg1[%get3A_6, %get3A_7] : memref<256x2xf32, #tpu.memory_space<vmem>>, vector<256x1xf32>
    %get3A_9 = arith.constant 0 : index
    %get3A_10 = arith.constant 1 : index
    %get3A_11 = vector.load %arg1[%get3A_9, %get3A_10] : memref<256x2xf32, #tpu.memory_space<vmem>>, vector<256x1xf32>
    %shift_right_logical3A = arith.constant 16 : i32
    %shift_right_logical3A_12 = vector.broadcast %shift_right_logical3A : i32 to vector<256x384xi32>
    %shift_right_logical3A_13 = arith.shrui %bitcast_convert_type3A, %shift_right_logical3A_12 : vector<256x384xi32>
    %and3A = arith.constant 65535 : i32
    %and3A_14 = vector.broadcast %and3A : i32 to vector<256x384xi32>
    %and3A_15 = arith.andi %shift_right_logical3A_13, %and3A_14 : vector<256x384xi32>
    %convert_element_type3A = arith.trunci %and3A_15 : vector<256x384xi32> to vector<256x384xi16>
    %bitcast_convert_type3A_16 = tpu.bitcast %convert_element_type3A : vector<256x384xi16> -> vector<256x384xbf16>
    %shift_right_logical3A_17 = arith.constant 16 : i32
    %shift_right_logical3A_18 = vector.broadcast %shift_right_logical3A_17 : i32 to vector<256x384xi32>
    %shift_right_logical3A_19 = arith.shrui %bitcast_convert_type3A_5, %shift_right_logical3A_18 : vector<256x384xi32>
    %and3A_20 = arith.constant 65535 : i32
    %and3A_21 = vector.broadcast %and3A_20 : i32 to vector<256x384xi32>
    %and3A_22 = arith.andi %shift_right_logical3A_19, %and3A_21 : vector<256x384xi32>
    %convert_element_type3A_23 = arith.trunci %and3A_22 : vector<256x384xi32> to vector<256x384xi16>
    %bitcast_convert_type3A_24 = tpu.bitcast %convert_element_type3A_23 : vector<256x384xi16> -> vector<256x384xbf16>
    %convert_element_type3A_25 = arith.extf %bitcast_convert_type3A_16 : vector<256x384xbf16> to vector<256x384xf32>
    %mul3A = vector.broadcast %get3A_8 : vector<256x1xf32> to vector<256x384xf32>
    %mul3A_26 = arith.mulf %mul3A, %convert_element_type3A_25 : vector<256x384xf32>
    %convert_element_type3A_27 = arith.extf %bitcast_convert_type3A_24 : vector<256x384xbf16> to vector<256x384xf32>
    %mul3A_28 = vector.broadcast %get3A_11 : vector<256x1xf32> to vector<256x384xf32>
    %mul3A_29 = arith.mulf %mul3A_28, %convert_element_type3A_27 : vector<256x384xf32>
    %add3A = arith.addf %mul3A_26, %mul3A_29 : vector<256x384xf32>
    %swap3A = arith.constant 0 : index
    %swap3A_30 = arith.constant 0 : index
    %swap3A_31 = vector.load %arg4[%swap3A, %swap3A_30] : memref<256x768xf32, #tpu.memory_space<vmem>>, vector<256x384xf32>
    tpu.vector_store %arg4[%swap3A, %swap3A_30], %add3A {strides = array<i32>} : memref<256x768xf32, #tpu.memory_space<vmem>>, vector<256x384xf32>,
    %shift_right_logical3A_32 = arith.constant 0 : i32
    %shift_right_logical3A_33 = vector.broadcast %shift_right_logical3A_32 : i32 to vector<256x384xi32>
    %shift_right_logical3A_34 = arith.shrui %bitcast_convert_type3A, %shift_right_logical3A_33 : vector<256x384xi32>
    %and3A_35 = arith.constant 65535 : i32
    %and3A_36 = vector.broadcast %and3A_35 : i32 to vector<256x384xi32>
    %and3A_37 = arith.andi %shift_right_logical3A_34, %and3A_36 : vector<256x384xi32>
    %convert_element_type3A_38 = arith.trunci %and3A_37 : vector<256x384xi32> to vector<256x384xi16>
    %bitcast_convert_type3A_39 = tpu.bitcast %convert_element_type3A_38 : vector<256x384xi16> -> vector<256x384xbf16>
    %shift_right_logical3A_40 = arith.constant 0 : i32
    %shift_right_logical3A_41 = vector.broadcast %shift_right_logical3A_40 : i32 to vector<256x384xi32>
    %shift_right_logical3A_42 = arith.shrui %bitcast_convert_type3A_5, %shift_right_logical3A_41 : vector<256x384xi32>
    %and3A_43 = arith.constant 65535 : i32
    %and3A_44 = vector.broadcast %and3A_43 : i32 to vector<256x384xi32>
    %and3A_45 = arith.andi %shift_right_logical3A_42, %and3A_44 : vector<256x384xi32>
    %convert_element_type3A_46 = arith.trunci %and3A_45 : vector<256x384xi32> to vector<256x384xi16>
    %bitcast_convert_type3A_47 = tpu.bitcast %convert_element_type3A_46 : vector<256x384xi16> -> vector<256x384xbf16>
    %convert_element_type3A_48 = arith.extf %bitcast_convert_type3A_39 : vector<256x384xbf16> to vector<256x384xf32>
    %mul3A_49 = vector.broadcast %get3A_8 : vector<256x1xf32> to vector<256x384xf32>
    %mul3A_50 = arith.mulf %mul3A_49, %convert_element_type3A_48 : vector<256x384xf32>
    %convert_element_type3A_51 = arith.extf %bitcast_convert_type3A_47 : vector<256x384xbf16> to vector<256x384xf32>
    %mul3A_52 = vector.broadcast %get3A_11 : vector<256x1xf32> to vector<256x384xf32>
    %mul3A_53 = arith.mulf %mul3A_52, %convert_element_type3A_51 : vector<256x384xf32>
    %add3A_54 = arith.addf %mul3A_50, %mul3A_53 : vector<256x384xf32>
    %swap3A_55 = arith.constant 0 : index
    %swap3A_56 = arith.constant 384 : index
    %swap3A_57 = vector.load %arg4[%swap3A_55, %swap3A_56] : memref<256x768xf32, #tpu.memory_space<vmem>>, vector<256x384xf32>
    tpu.vector_store %arg4[%swap3A_55, %swap3A_56], %add3A_54 {strides = array<i32>} : memref<256x768xf32, #tpu.memory_space<vmem>>, vector<256x384xf32>,
    return
  }
  func.func @transform_0(%arg0: i32) -> (i32, i32) {
    %c0_i32 = arith.constant 0 : i32
    %c0_i32_0 = arith.constant 0 : i32
    return %arg0, %c0_i32 : i32, i32
  }
  func.func @transform_1(%arg0: i32) -> (i32, i32) {
    %c0_i32 = arith.constant 0 : i32
    %c0_i32_0 = arith.constant 0 : i32
    return %arg0, %c0_i32 : i32, i32
  }
  func.func @transform_2(%arg0: i32) -> (i32, i32) {
    %add3A = arith.constant 8 : i32
    %add3A_0 = arith.addi %arg0, %add3A : i32
    %c0_i32 = arith.constant 0 : i32
    %c0_i32_1 = arith.constant 0 : i32
    return %add3A_0, %c0_i32 : i32, i32
  }
  func.func @transform_3(%arg0: i32) -> (i32, i32) {
    %c0_i32 = arith.constant 0 : i32
    %c0_i32_0 = arith.constant 0 : i32
    return %arg0, %c0_i32 : i32, i32
  }
}

</mosaic_0001>

<sc_bundles>
// kernel: kernel.10.cloned.1.call-start
scs
__scs_entry_jumppad:
0x0: {  	(pc) =	sbr.rel $0x88, $3  }
0x1: {  	(tag) =	ssettag $0x0;
	lr =	simm.s32 $0x1  }
0x2: {  	[smem:$0x3F9B] =	sst lr;
	_ =	strace $0xD0000000  }
0x3: {  	_ = 	snop  }
0x4: {  	_ = 	snop  }
0x5: {  	_ = 	snop  }
0x6: {  	_ = 	snop  }
0x7: {  	_ = 	snop  }
__scs_overlays_trampoline_lowered:
0x8: {  	[smem:$0x3FAA] =	sst s0  }
0x9: {  	[smem:$0x3FAB] =	sst s1  }
0xa: {  	[smem:$0x3FAC] =	sst s2  }
0xb: {  	[smem:$0x3FAD] =	sst s3  }
0xc: {  	[smem:$0x3FAE] =	sst s4  }
0xd: {  	[smem:$0x3FAF] =	sst s5  }
0xe: {  	[smem:$0x3FB0] =	sst s6  }
0xf: {  	[smem:$0x3FB1] =	sst s7  }
0x10: {  	[smem:$0x3FB2] =	sst s8  }
0x11: {  	[smem:$0x3FB3] =	sst s9;
	s0 =	simm.s32 @!p0 $0x0  }
0x12: {  	s1 =	sld [smem:$0x3F99];
	s0 =	simm.s32 @p0 $0x1  }
0x13: {  	[smem:$0x3FB4] =	sst s0;
	s0 =	simm.s32 @!p1 $0x0  }
0x14: {  	s2 =	sld [smem:$0x3F98];
	s0 =	simm.s32 @p1 $0x1  }
0x15: {  	[smem:$0x3FB5] =	sst s0;
	s0 =	simm.s32 @!p2 $0x0  }
0x16: {  	s3 =	sld [smem:$0x3FDB];
	s0 =	simm.s32 @p2 $0x1  }
0x17: {  	s4 =	simm.s32 $0x1BF5;
	[smem:$0x3FB7] =	sst s0  }
0x18: {  	s0 =	sld [smem:$0x3F9A];
	_ =	swait.ge [sflag:s4], $0x0  }
0x19: {  	s7 =	sld [smem:$0x3F9B]  }
0x1a: {  	s8 =	sadd.s32 $0xFFFFE003, lr  }
0x1b: {  	s9 =	sadd.s32 $0xFFFFFEF7, lr;
	s5 =	simm.s32 $0xFFFFFFFF;
	p2 =	slt.u32 s8, $0xFFFFF086  }
0x1c: {  	p1 =	slt.u32 s9, $0xF7A;
	s5 =	simm.s32 @!p2 $0x0  }
0x1d: {  	s5 =	simm.s32 @p1 $0x1;
	p0 =	seq.s32 s7, s2  }
0x1e: {  	s7 =	smul.u32 @!p0 $0xF7A, s2;
	p2 =	seq.s32 @!p0 s5, $0x0  }
0x1f: {  	s9 =	smul.u32 $0xF7A, s1;
	s8 =	simm.s32 @!p0 $0x1BF5;
	p2 =	por !p2, p0  }
0x20: {  	[sflag:s8] =	ssyncset.s32 @!p0 $0xFFFFF086;
	s6 =	sadd.s32 @!p0 s3, s7;
	s7 =	simm.s32 @!p0 $0x108  }
0x21: {  	s3 =	sadd.s32 s3, s9;
	s6 =	sadd.s32 @!p0 $0x88, s6;
	s7 =	simm.s32 @p2 $0x1082  }
0x22: {  	[simem:s7], [sflag:s8] =	dma.local @!p0 [hbm:s6], $0xF7A  }
0x23: {  	s9 =	sor.u32 $0xD0000000, s2;
	s6 =	simm.s32 $0x108;
	_ =	swait.ge @!p0 [sflag:s8], $0x0  }
0x24: {  	s3 =	sadd.s32 $0x88, s3;
	s6 =	simm.s32 @!p1 $0x1082;
	[sflag:s4] =	ssyncset.s32 $0xFFFFF086  }
0x25: {  	[simem:s6], [sflag:s4] =	dma.local [hbm:s3], $0xF7A  }
0x26: {  	[smem:$0x3F9B] =	sst s1;
	(tag) =	ssettag s2;
	_ =	strace s9  }
0x27: {  	s1 =	sld [smem:$0x3FAB]  }
0x28: {  	s2 =	sld [smem:$0x3FAC]  }
0x29: {  	s4 =	sld [smem:$0x3FAE]  }
0x2a: {  	p0 =	seq.s32 s5, $0x0;
	s5 =	sld [smem:$0x3FAF]  }
0x2b: {  	s6 =	sld [smem:$0x3FB0]  }
0x2c: {  	s7 =	sld [smem:$0x3FB1]  }
0x2d: {  	s3 =	simm.s32 $0x108;
	s8 =	sld [smem:$0x3FB2]  }
0x2e: {  	s3 =	simm.s32 @!p0 $0x1082;
	s9 =	sld [smem:$0x3FB3]  }
0x2f: {  	lr =	sadd.s32 s0, s3;
	s0 =	sld [smem:$0x3FAA]  }
0x30: {  	s3 =	sld [smem:$0x3FAD]  }
0x31: {  	[smem:$0x3FB6] =	sst s10  }
0x32: {  	s10 =	sld [smem:$0x3FB4];
	_ =	sdelay $0x3  }
0x33: {  	p0 =	seq.s32 s10, $0x1;
	s10 =	sld [smem:$0x3FB6];
	_ =	sdelay $0x3  }
0x34: {  	[smem:$0x3FB6] =	sst s10  }
0x35: {  	s10 =	sld [smem:$0x3FB5];
	_ =	sdelay $0x3  }
0x36: {  	p1 =	seq.s32 s10, $0x1;
	s10 =	sld [smem:$0x3FB6];
	_ =	sdelay $0x3  }
0x37: {  	[smem:$0x3FB6] =	sst s10  }
0x38: {  	s10 =	sld [smem:$0x3FB7]  }
0x39: {  	_ = 	snop;
	(pc) =	sbr.ind lr, $3  }
0x3a: {  	_ = 	snop  }
0x3b: {  	_ = 	snop  }
0x3c: {  	p2 =	seq.s32 s10, $0x1;
	s10 =	sld [smem:$0x3FB6]  }
0x3d: {  	_ =	shalt  }
0x3e: {  	_ =	shalt  }
0x3f: {  	_ =	shalt  }
0x40: {  	_ =	shalt  }
0x41: {  	_ =	shalt  }
0x42: {  	_ =	shalt  }
0x43: {  	_ =	shalt  }
0x44: {  	_ =	shalt  }
0x45: {  	_ =	shalt  }
0x46: {  	_ =	shalt  }
0x47: {  	_ =	shalt  }
0x48: {  	_ =	shalt  }
0x49: {  	_ =	shalt  }
0x4a: {  	_ =	shalt  }
0x4b: {  	_ =	shalt  }
0x4c: {  	_ =	shalt  }
0x4d: {  	_ =	shalt  }
0x4e: {  	_ =	shalt  }
0x4f: {  	_ =	shalt  }
0x50: {  	_ =	shalt  }
0x51: {  	_ =	shalt  }
0x52: {  	_ =	shalt  }
0x53: {  	_ =	shalt  }
0x54: {  	_ =	shalt  }
0x55: {  	_ =	shalt  }
0x56: {  	_ =	shalt  }
0x57: {  	_ =	shalt  }
0x58: {  	_ =	shalt  }
0x59: {  	_ =	shalt  }
0x5a: {  	_ =	shalt  }
0x5b: {  	_ =	shalt  }
0x5c: {  	_ =	shalt  }
0x5d: {  	_ =	shalt  }
0x5e: {  	_ =	shalt  }
0x5f: {  	_ =	shalt  }
0x60: {  	_ =	shalt  }
0x61: {  	_ =	shalt  }
0x62: {  	_ =	shalt  }
0x63: {  	_ =	shalt  }
0x64: {  	_ =	shalt  }
0x65: {  	_ =	shalt  }
0x66: {  	_ =	shalt  }
0x67: {  	_ =	shalt  }
0x68: {  	_ =	shalt  }
0x69: {  	_ =	shalt  }
0x6a: {  	_ =	shalt  }
0x6b: {  	_ =	shalt  }
0x6c: {  	_ =	shalt  }
0x6d: {  	_ =	shalt  }
0x6e: {  	_ =	shalt  }
0x6f: {  	_ =	shalt  }
0x70: {  	_ =	shalt  }
0x71: {  	_ =	shalt  }
0x72: {  	_ =	shalt  }
0x73: {  	_ =	shalt  }
0x74: {  	_ =	shalt  }
0x75: {  	_ =	shalt  }
0x76: {  	_ =	shalt  }
0x77: {  	_ =	shalt  }
0x78: {  	_ =	shalt  }
0x79: {  	_ =	shalt  }
0x7a: {  	_ =	shalt  }
0x7b: {  	_ =	shalt  }
0x7c: {  	_ =	shalt  }
0x7d: {  	_ =	shalt  }
0x7e: {  	_ =	shalt  }
0x7f: {  	_ =	shalt  }
0x80: {  	_ =	shalt  }
0x81: {  	_ =	shalt  }
0x82: {  	_ =	shalt  }
0x83: {  	_ =	shalt  }
0x84: {  	_ =	shalt  }
0x85: {  	_ =	shalt  }
0x86: {  	_ =	shalt  }
0x87: {  	_ =	shalt  }
.Lfunc_end0:
.L_simem_size_0:
called_computation.1_lowered:
.L_overlay_start_0:
0x88: {  	s2 =	sld [smem:$0x3FD9]  }
0x89: {  	s3 =	sld [smem:$0x3FFE];
	_ =	sdelay $0x1  }
0x8a: {  	s1 =	srdreg.scid  }
0x8b: {  	s0 =	sand.u32 $0x1, s1  }
0x8c: {  	s17 =	sshll.u32 s0, $0xA;
	s2 =	sadd.s32 s3, s2  }
0x8d: {  	s2 =	sadd.s32 s2, s17  }
0x8e: {  	[smem:$0x3FC2] =	sst s2  }
0x8f: {  	_ = 	snop  }
0x90: {  	s2 =	sld [smem:$0x3FD0];
	(tm) =	ssettm $0x1  }
0x91: {  	s18 =	sld [smem:$0x3FFB];
	_ =	sdelay $0x3  }
0x92: {  	_ =	strace s18  }
0x93: {  	s3 =	sld [smem:$0x3FFC];
	_ =	sdelay $0x3  }
0x94: {  	_ =	strace s3  }
0x95: {  	s3 =	sld [smem:$0x3FFD];
	_ =	sdelay $0x3  }
0x96: {  	_ =	strace s3  }
0x97: {  	_ =	strace $0x8FFFFFFF  }
0x98: {  	s19 =	sld [smem:$0x3FDB];
	_ =	sdelay $0x1  }
0x99: {  	s4 =	simm.s32 $_scs_section_size  }
0x9a: {  	s5 =	simm.s32 $_size__tile_overlayer_lowered;
	s6 =	simm.s32 $_tile_overlayer_lowered  }
0x9b: {  	s22 =	simm.s32 $0x1BFF;
	s21 =	sshll.u32 s6, $0x1;
	s3 =	sadd.s32 s4, s19  }
0x9c: {  	s7 =	simm.s32 $0x0;
	s20 =	sshll.u32 s5, $0x1;
	s5 =	sadd.s32 s21, s3  }
0x9d: {  	[timem:s7], [sflag:s22] =	dma.local [hbm:s5], s20  }
0x9e: {  	_ =	swait.ge [sflag:s22], s20  }
0x9f: {  	s4 =	ssub.s32 $0x0, s20;
	[sflag:s22] =	ssyncset.done $0x0  }
0xa0: {  	[sflag:s22] =	ssyncadd.s32 s4;
	_ =	sdelay $0x1  }
0xa1: {  	s23 =	simm.s32 $0x1B8B  }
0xa2: {  	_ =	swait.ge [sflag:s23], $0x1  }
0xa3: {  	[sflag:s23] =	ssyncset.done $0x0  }
0xa4: {  	s25 =	simm.s32 $0x1B8E;
	s24 =	sld [smem:$0x3FFE];
	[sflag:s23] =	ssyncadd.s32 $0xFFFFFFFF  }
0xa5: {  	s26 =	simm.s32 $execute0_lowered;
	[smem:$0x3FD2] =	sst s25  }
0xa6: {  	s5 =	sshll.u32 s26, $0x1;
	_ =	strace $0x8000004D;
	[dreg:$0x1] =	wrdreg $0xFFFFFFFF  }
0xa7: {  	s28 =	simm.s32 $_size_execute0_lowered;
	s3 =	sadd.s32 s3, s5;
	[dreg:$0x0] =	wrdreg $0x0  }
0xa8: {  	s5 =	sshll.u32 s28, $0x1;
	[dreg:$0x2] =	wrdreg s3  }
0xa9: {  	[dreg:$0x3] =	wrdreg s5  }
0xaa: {  	[dreg:$0x4] =	wrdreg $0xC0  }
0xab: {  	_ =	task [dreg:s7], $0x5FFFF  }
0xac: {  	[dreg:$0x1] =	wrdreg $0xFFFFFFFF  }
0xad: {  	[dreg:$0x0] =	wrdreg $0x60  }
0xae: {  	[dreg:$0x2] =	wrdreg s24  }
0xaf: {  	[dreg:$0x3] =	wrdreg s2  }
0xb0: {  	[dreg:$0x4] =	wrdreg $0x9  }
0xb1: {  	_ =	task.clear_ibuf [dreg:s7], $0x5FFFF;
	_ =	strace $0x9000004D  }
0xb2: {  	s29 =	simm.s32 $0x9;
	_ =	strace $0x80000054  }
0xb3: {  	_ =	swait.ge [sflag:s29], $0x1  }
0xb4: {  	[sflag:s29] =	ssyncadd.s32 $0xFFFFFFFF  }
0xb5: {  	_ =	strace $0x90000054  }
0xb6: {  	_ =	sfence  }
0xb7: {  	s30 =	sld [smem:$0x0];
	_ =	sdelay $0x2  }
0xb8: {  	s31 =	sshll.u32 s1, $0xD;
	s1 =	sshrl.u32 s1, $0x2  }
0xb9: {  	s3 =	sand.u32 $0x4000, s31;
	s1 =	sadd.s32 s1, s30  }
0xba: {  	s0 =	sor.u32 s3, s0;
	s1 =	sshll.u32 s1, $0x11  }
0xbb: {  	s0 =	sor.u32 s1, s0  }
0xbc: {  	s0 =	sadd.s32 $0x8F2B, s0  }
0xbd: {  	[sflag:s0] =	ssyncadd.remote.s32 $0x1  }
0xbe: {  	_ =	sfence.sel $0xFFFF  }
0xbf: {  	[dreg:$0x0] =	wrdreg $0xFFFFFFFF;
	(pc) =	sbr.abs _section_cstart, $3  }
0xc0: {  	[dreg:$0x1] =	wrdreg $0xFFFFFFFF  }
0xc1: {  	_ =	task.clear_ibuf [dreg:s7], $0x2FFFF;
	_ =	strace $0x9FFFFFFF  }
0xc2: {  	(tm) =	ssettm $0x7FFFFFFF  }
0xc3: {  	_ =	shalt  }
tec
execute0_lowered:
.L_overlay_start_1:
0x0: {  	(tag) =	ssettag $0x1  }
0x1: {  	s1 =	srdreg.scid;
	s4 =	rddreg [dreg:$0x0]  }
0x2: {  	s0 =	stileid.u32;
	s3 =	rddreg [dreg:$0x1];
	s2 =	simm.s32 $0x0  }
0x3: {  	s16 =	simm.s32 $0x80;
	s17 =	simm.s32 $0x980;
	s18 =	simm.s32 $0xD80  }
0x4: {  	s19 =	simm.s32 $0x1580;
	s20 =	simm.s32 $0x1980;
	s21 =	simm.s32 $0x2180  }
0x5: {  	s23 =	simm.s32 $0x2580;
	s24 =	simm.s32 $0x2D80;
	[smem:$0x7FF] =	sst s2  }
0x6: {  	s25 =	simm.s32 $0x3180;
	_ =	strace $0x8000004E;
	[dreg:$0x5] =	wrdreg s16  }
0x7: {  	s26 =	simm.s32 $0x3980;
	s7 =	simm.s32 $0x180;
	[dreg:$0x6] =	wrdreg s17  }
0x8: {  	s9 =	simm.s32 $0x4580;
	s10 =	simm.s32 $0x4980;
	[dreg:$0x7] =	wrdreg s18  }
0x9: {  	s11 =	simm.s32 $0x5180;
	s12 =	simm.s32 $0x5580;
	[dreg:$0x8] =	wrdreg s19  }
0xa: {  	s13 =	simm.s32 $0x5D80;
	s14 =	simm.s32 $0x6180;
	[dreg:$0x9] =	wrdreg s20  }
0xb: {  	s15 =	simm.s32 $0x6980;
	s28 =	simm.s32 $0xB180;
	[dreg:$0xa] =	wrdreg s21  }
0xc: {  	s29 =	simm.s32 $0xB580;
	s30 =	simm.s32 $0xBD80;
	[dreg:$0xb] =	wrdreg s23  }
0xd: {  	s31 =	simm.s32 $0x5;
	s1 =	sand.u32 $0x1, s1;
	[dreg:$0xc] =	wrdreg s24  }
0xe: {  	s6 =	sshll.u32 s0, $0x4;
	s5 =	sshll.u32 s1, $0x8;
	[dreg:$0xd] =	wrdreg s25  }
0xf: {  	s1 =	ssub.s32 $0x2, s1;
	[dreg:$0xe] =	wrdreg s26;
	s16 =	simm.s32 $0x6D80  }
0x10: {  	s17 =	simm.s32 $0x7580;
	s18 =	simm.s32 $0x7980;
	s19 =	simm.s32 $0x8180  }
0x11: {  	s20 =	simm.s32 $0x8580;
	s21 =	simm.s32 $0x8D80;
	s23 =	simm.s32 $0x9980  }
0x12: {  	s24 =	simm.s32 $0x9D80;
	s25 =	simm.s32 $0xA580;
	s5 =	sor.u32 s6, s5  }
0x13: {  	s22 =	sshrl.u32 s1, $0x1;
	s6 =	sadd.s32 s5, s4;
	s5 =	smul.u32 $0x180, s5  }
0x14: {  	s26 =	simm.s32 $0xA980;
	s1 =	ssub.s32 s1, s22;
	s6 =	sadd.s32 $0x49600, s6  }
0x15: {  	v2 =	vlaneseq.u32;
	s22 =	simm.s32 $0x9180;
	[dreg:$0x3] =	wrdreg s6;
	s3 =	sadd.s32 s3, s5  }
0x16: {  	vm0 =	vmmov $0xffff;
	vm1 =	vmmov $0xff;
	v1 =	vshrl.u32 v2, $0x3;
	s5 =	smax.u32 s1, $0x1;
	s6 =	simm.s32 $0x1;
	s1 =	simm.s32 $0x3  }
0x17: {  	v0 =	vand.u32 $0x7, v2;
	v2 =	vor.u32 $0x8, v2;
	v1 =	vmul.u32 $0x8, v1;
	[dreg:$0x4] =	wrdreg s3;
	s3 =	sadd.s32 $0x1200, s4;
	s4 =	sadd.s32 $0x1300, s4  }
.LBB2_1:
0x18: {  	_ =	strace $0x8000004F  }
0x19: {  	s0 =	rddreg [dreg:$0x3]  }
0x1a: {  	s8 =	rddreg [dreg:$0x5]  }
0x1b: {  	[tilespmem:s8], [sflag:$0x1] =	stream.linear.gather [hbm4b:s0+s2], $0x80, $0x200038;
	[tilespmem:$0x18180] =	vst v63  }
0x1c: {  	_ =	strace $0x9000004F  }
0x1d: {  	_ =	strace $0x80000050  }
0x1e: {  	_ =	swait.ge [sflag:s6], $0x80  }
0x1f: {  	[sflag:s6] =	ssyncset.done $0x0  }
0x20: {  	[sflag:s6] =	ssyncadd.s32 $0xFFFFFF80  }
0x21: {  	_ =	strace $0x90000050  }
0x22: {  	_ =	strace $0x80000051  }
0x23: {  	v3 =	vld [tilespmem:$0x80];
	_ =	sdelay $0x1  }
0x24: {  	v4 =	vld [tilespmem:$0x90];
	_ =	sdelay $0x1  }
0x25: {  	v5 =	vld [tilespmem:$0xA0]  }
0x26: {  	v6 =	vld [tilespmem:$0xB0];
	vm2 =	vgt.s32 v3, $0x0  }
0x27: {  	v7 =	vld [tilespmem:$0xC0];
	v3 =	vnsel vm2, $0x0, v3  }
0x28: {  	vm2 =	vgt.s32 v4, $0x0;
	v3 =	vmin.u32 v3, $0x17FF  }
0x29: {  	v9 =	vld [tilespmem:$0xD0];
	v4 =	vnsel vm2, $0x0, v4;
	v8 =	vshrl.u32 v3, $0x3  }
0x2a: {  	v10 =	vld [tilespmem:$0xE0];
	vm2 =	vgt.s32 v5, $0x0;
	v11 =	vand.u32 $0x7, v3;
	v8 =	vmul.u32 $0x18, v8  }
0x2b: {  	v49 =	vld [tilespmem:$0xF0];
	v5 =	vnsel vm2, $0x0, v5;
	vm2 =	vgt.s32 v6, $0x0;
	[tilespmem:$0x0] =	vst v3;
	v3 =	vmin.u32 v4, $0x17FF  }
0x2c: {  	v50 =	vnsel vm2, $0x0, v6;
	vm2 =	vgt.s32 v7, $0x0;
	v8 =	vor.u32 v11, v8  }
0x2d: {  	[tilespmem:$0x10] =	vst v3;
	v3 =	vmin.u32 v5, $0x17FF;
	v51 =	vnsel vm2, $0x0, v7;
	v52 =	vperm.xlane v8, v0  }
0x2e: {  	[tilespmem:$0x20] =	vst v3;
	v3 =	vmin.u32 v50, $0x17FF;
	vm2 =	vgt.s32 v9, $0x0;
	v53 =	vmin.u32 v51, $0x17FF  }
0x2f: {  	[tilespmem:$0x30] =	vst v3;
	v3 =	vnsel vm2, $0x0, v9;
	vm2 =	vgt.s32 v10, $0x0;
	v54 =	vadd.s32 v1, v52  }
0x30: {  	[tilespmem:$0x40] =	vst v53;
	v3 =	vmin.u32 v3, $0x17FF;
	v55 =	vnsel vm2, $0x0, v10;
	vm2 =	vgt.s32 v49, $0x0  }
0x31: {  	v56 =	vperm.xlane v8, v2;
	[tilespmem:$0x50] =	vst v3;
	v3 =	vnsel vm2, $0x0, v49;
	v4 =	vmin.u32 v55, $0x17FF  }
0x32: {  	[tilespmem:$0x60] =	vst v4;
	v3 =	vmin.u32 v3, $0x17FF  }
0x33: {  	[tilespmem:$0x70] =	vst v3;
	v3 =	vadd.s32 v1, v56  }
0x34: {  	[tilespmem:s7], [sflag:$0x5] =	stream.indirect_vreg.gather [hbm4b:s3+s2], $0x80, v54, vm0, $0x2000b8;
	[tilespmem:$0x18180] =	vst v63  }
0x35: {  	s0 =	rddreg [dreg:$0x6]  }
0x36: {  	[tilespmem:s0], [sflag:$0x5] =	stream.indirect_vreg.gather [hbm4b:s4+s2], $0x80, v54, vm1, $0x2000b8;
	[tilespmem:$0x18180] =	vst v63  }
0x37: {  	s8 =	rddreg [dreg:$0x7]  }
0x38: {  	[tilespmem:s8], [sflag:$0x5] =	stream.indirect_vreg.gather [hbm4b:s3+s2], $0x80, v3, vm0, $0x2000b8;
	[tilespmem:$0x18180] =	vst v63  }
0x39: {  	s0 =	rddreg [dreg:$0x8]  }
0x3a: {  	[tilespmem:s0], [sflag:$0x5] =	stream.indirect_vreg.gather [hbm4b:s4+s2], $0x80, v3, vm1, $0x2000b8;
	[tilespmem:$0x18180] =	vst v63  }
0x3b: {  	v3 =	vld [tilespmem:$0x10];
	_ =	sdelay $0x4  }
0x3c: {  	v57 =	vshrl.u32 v3, $0x3  }
0x3d: {  	v4 =	vmul.u32 $0x18, v57  }
0x3e: {  	v3 =	vand.u32 $0x7, v3  }
0x3f: {  	v3 =	vor.u32 v3, v4  }
0x40: {  	v4 =	vperm.xlane v3, v0;
	_ =	sdelay $0x1  }
0x41: {  	v4 =	vadd.s32 v1, v4;
	_ =	sdelay $0x1  }
0x42: {  	v3 =	vperm.xlane v3, v2;
	_ =	sdelay $0x1  }
0x43: {  	s0 =	rddreg [dreg:$0x9];
	v3 =	vadd.s32 v1, v3  }
0x44: {  	[tilespmem:s0], [sflag:$0x5] =	stream.indirect_vreg.gather [hbm4b:s3+s2], $0x80, v4, vm0, $0x2000b8;
	[tilespmem:$0x18180] =	vst v63  }
0x45: {  	s8 =	rddreg [dreg:$0xa]  }
0x46: {  	[tilespmem:s8], [sflag:$0x5] =	stream.indirect_vreg.gather [hbm4b:s4+s2], $0x80, v4, vm1, $0x2000b8;
	[tilespmem:$0x18180] =	vst v63  }
0x47: {  	s0 =	rddreg [dreg:$0xb]  }
0x48: {  	[tilespmem:s0], [sflag:$0x5] =	stream.indirect_vreg.gather [hbm4b:s3+s2], $0x80, v3, vm0, $0x2000b8;
	[tilespmem:$0x18180] =	vst v63  }
0x49: {  	s8 =	rddreg [dreg:$0xc]  }
0x4a: {  	[tilespmem:s8], [sflag:$0x5] =	stream.indirect_vreg.gather [hbm4b:s4+s2], $0x80, v3, vm1, $0x2000b8;
	[tilespmem:$0x18180] =	vst v63  }
0x4b: {  	v3 =	vld [tilespmem:$0x20];
	_ =	sdelay $0x4  }
0x4c: {  	v58 =	vshrl.u32 v3, $0x3  }
0x4d: {  	v4 =	vmul.u32 $0x18, v58  }
0x4e: {  	v3 =	vand.u32 $0x7, v3  }
0x4f: {  	v3 =	vor.u32 v3, v4  }
0x50: {  	v4 =	vperm.xlane v3, v0;
	_ =	sdelay $0x1  }
0x51: {  	v4 =	vadd.s32 v1, v4;
	_ =	sdelay $0x1  }
0x52: {  	v3 =	vperm.xlane v3, v2;
	_ =	sdelay $0x1  }
0x53: {  	s0 =	rddreg [dreg:$0xd];
	v3 =	vadd.s32 v1, v3  }
0x54: {  	[tilespmem:s0], [sflag:$0x5] =	stream.indirect_vreg.gather [hbm4b:s3+s2], $0x80, v4, vm0, $0x2000b8;
	[tilespmem:$0x18180] =	vst v63  }
0x55: {  	s8 =	rddreg [dreg:$0xe]  }
0x56: {  	[tilespmem:s8], [sflag:$0x5] =	stream.indirect_vreg.gather [hbm4b:s4+s2], $0x80, v4, vm1, $0x2000b8;
	[tilespmem:$0x18180] =	vst v63  }
0x57: {  	s8 =	simm.s32 $0x3D80  }
0x58: {  	[tilespmem:s8], [sflag:$0x5] =	stream.indirect_vreg.gather [hbm4b:s3+s2], $0x80, v3, vm0, $0x2000b8;
	[tilespmem:$0x18180] =	vst v63  }
0x59: {  	_ = 	snop  }
0x5a: {  	[tilespmem:s9], [sflag:$0x5] =	stream.indirect_vreg.gather [hbm4b:s4+s2], $0x80, v3, vm1, $0x2000b8;
	[tilespmem:$0x18180] =	vst v63  }
0x5b: {  	v3 =	vld [tilespmem:$0x30];
	_ =	sdelay $0x4  }
0x5c: {  	v59 =	vshrl.u32 v3, $0x3  }
0x5d: {  	v4 =	vmul.u32 $0x18, v59  }
0x5e: {  	v3 =	vand.u32 $0x7, v3  }
0x5f: {  	v3 =	vor.u32 v3, v4  }
0x60: {  	v4 =	vperm.xlane v3, v0;
	_ =	sdelay $0x1  }
0x61: {  	v4 =	vadd.s32 v1, v4;
	_ =	sdelay $0x1  }
0x62: {  	v3 =	vperm.xlane v3, v2;
	_ =	sdelay $0x1  }
0x63: {  	v3 =	vadd.s32 v1, v3  }
0x64: {  	[tilespmem:s10], [sflag:$0x5] =	stream.indirect_vreg.gather [hbm4b:s3+s2], $0x80, v4, vm0, $0x2000b8;
	[tilespmem:$0x18180] =	vst v63  }
0x65: {  	_ = 	snop  }
0x66: {  	[tilespmem:s11], [sflag:$0x5] =	stream.indirect_vreg.gather [hbm4b:s4+s2], $0x80, v4, vm1, $0x2000b8;
	[tilespmem:$0x18180] =	vst v63  }
0x67: {  	_ = 	snop  }
0x68: {  	[tilespmem:s12], [sflag:$0x5] =	stream.indirect_vreg.gather [hbm4b:s3+s2], $0x80, v3, vm0, $0x2000b8;
	[tilespmem:$0x18180] =	vst v63  }
0x69: {  	_ = 	snop  }
0x6a: {  	[tilespmem:s13], [sflag:$0x5] =	stream.indirect_vreg.gather [hbm4b:s4+s2], $0x80, v3, vm1, $0x2000b8;
	[tilespmem:$0x18180] =	vst v63  }
0x6b: {  	v3 =	vld [tilespmem:$0x40];
	_ =	sdelay $0x4  }
0x6c: {  	v60 =	vshrl.u32 v3, $0x3  }
0x6d: {  	v4 =	vmul.u32 $0x18, v60  }
0x6e: {  	v3 =	vand.u32 $0x7, v3  }
0x6f: {  	v3 =	vor.u32 v3, v4  }
0x70: {  	v4 =	vperm.xlane v3, v0;
	_ =	sdelay $0x1  }
0x71: {  	v4 =	vadd.s32 v1, v4;
	_ =	sdelay $0x1  }
0x72: {  	v3 =	vperm.xlane v3, v2;
	_ =	sdelay $0x1  }
0x73: {  	v3 =	vadd.s32 v1, v3  }
0x74: {  	[tilespmem:s14], [sflag:$0x5] =	stream.indirect_vreg.gather [hbm4b:s3+s2], $0x80, v4, vm0, $0x2000b8;
	[tilespmem:$0x18180] =	vst v63  }
0x75: {  	_ = 	snop  }
0x76: {  	[tilespmem:s15], [sflag:$0x5] =	stream.indirect_vreg.gather [hbm4b:s4+s2], $0x80, v4, vm1, $0x2000b8;
	[tilespmem:$0x18180] =	vst v63  }
0x77: {  	_ = 	snop  }
0x78: {  	[tilespmem:s16], [sflag:$0x5] =	stream.indirect_vreg.gather [hbm4b:s3+s2], $0x80, v3, vm0, $0x2000b8;
	[tilespmem:$0x18180] =	vst v63  }
0x79: {  	_ = 	snop  }
0x7a: {  	[tilespmem:s17], [sflag:$0x5] =	stream.indirect_vreg.gather [hbm4b:s4+s2], $0x80, v3, vm1, $0x2000b8;
	[tilespmem:$0x18180] =	vst v63  }
0x7b: {  	v3 =	vld [tilespmem:$0x50];
	_ =	sdelay $0x4  }
0x7c: {  	v61 =	vshrl.u32 v3, $0x3  }
0x7d: {  	v4 =	vmul.u32 $0x18, v61  }
0x7e: {  	v3 =	vand.u32 $0x7, v3  }
0x7f: {  	v3 =	vor.u32 v3, v4  }
0x80: {  	v4 =	vperm.xlane v3, v0;
	_ =	sdelay $0x1  }
0x81: {  	v4 =	vadd.s32 v1, v4;
	_ =	sdelay $0x1  }
0x82: {  	v3 =	vperm.xlane v3, v2;
	_ =	sdelay $0x1  }
0x83: {  	v3 =	vadd.s32 v1, v3  }
0x84: {  	[tilespmem:s18], [sflag:$0x5] =	stream.indirect_vreg.gather [hbm4b:s3+s2], $0x80, v4, vm0, $0x2000b8;
	[tilespmem:$0x18180] =	vst v63  }
0x85: {  	_ = 	snop  }
0x86: {  	[tilespmem:s19], [sflag:$0x5] =	stream.indirect_vreg.gather [hbm4b:s4+s2], $0x80, v4, vm1, $0x2000b8;
	[tilespmem:$0x18180] =	vst v63  }
0x87: {  	_ = 	snop  }
0x88: {  	[tilespmem:s20], [sflag:$0x5] =	stream.indirect_vreg.gather [hbm4b:s3+s2], $0x80, v3, vm0, $0x2000b8;
	[tilespmem:$0x18180] =	vst v63  }
0x89: {  	_ = 	snop  }
0x8a: {  	[tilespmem:s21], [sflag:$0x5] =	stream.indirect_vreg.gather [hbm4b:s4+s2], $0x80, v3, vm1, $0x2000b8;
	[tilespmem:$0x18180] =	vst v63  }
0x8b: {  	v3 =	vld [tilespmem:$0x60];
	_ =	sdelay $0x4  }
0x8c: {  	v62 =	vshrl.u32 v3, $0x3  }
0x8d: {  	v4 =	vmul.u32 $0x18, v62  }
0x8e: {  	v3 =	vand.u32 $0x7, v3  }
0x8f: {  	v3 =	vor.u32 v3, v4  }
0x90: {  	v4 =	vperm.xlane v3, v0;
	_ =	sdelay $0x1  }
0x91: {  	v4 =	vadd.s32 v1, v4;
	_ =	sdelay $0x1  }
0x92: {  	v3 =	vperm.xlane v3, v2;
	_ =	sdelay $0x1  }
0x93: {  	v3 =	vadd.s32 v1, v3  }
0x94: {  	[tilespmem:s22], [sflag:$0x5] =	stream.indirect_vreg.gather [hbm4b:s3+s2], $0x80, v4, vm0, $0x2000b8;
	[tilespmem:$0x18180] =	vst v63  }
0x95: {  	_ = 	snop  }
0x96: {  	[tilespmem:s23], [sflag:$0x5] =	stream.indirect_vreg.gather [hbm4b:s4+s2], $0x80, v4, vm1, $0x2000b8;
	[tilespmem:$0x18180] =	vst v63  }
0x97: {  	_ = 	snop  }
0x98: {  	[tilespmem:s24], [sflag:$0x5] =	stream.indirect_vreg.gather [hbm4b:s3+s2], $0x80, v3, vm0, $0x2000b8;
	[tilespmem:$0x18180] =	vst v63  }
0x99: {  	_ = 	snop  }
0x9a: {  	[tilespmem:s25], [sflag:$0x5] =	stream.indirect_vreg.gather [hbm4b:s4+s2], $0x80, v3, vm1, $0x2000b8;
	[tilespmem:$0x18180] =	vst v63  }
0x9b: {  	v3 =	vld [tilespmem:$0x70];
	_ =	sdelay $0x4  }
0x9c: {  	v63 =	vshrl.u32 v3, $0x3  }
0x9d: {  	v4 =	vmul.u32 $0x18, v63  }
0x9e: {  	v3 =	vand.u32 $0x7, v3  }
0x9f: {  	v3 =	vor.u32 v3, v4  }
0xa0: {  	v4 =	vperm.xlane v3, v0;
	_ =	sdelay $0x1  }
0xa1: {  	v4 =	vadd.s32 v1, v4;
	_ =	sdelay $0x1  }
0xa2: {  	v3 =	vperm.xlane v3, v2;
	_ =	sdelay $0x1  }
0xa3: {  	v3 =	vadd.s32 v1, v3  }
0xa4: {  	[tilespmem:s26], [sflag:$0x5] =	stream.indirect_vreg.gather [hbm4b:s3+s2], $0x80, v4, vm0, $0x2000b8;
	[tilespmem:$0x18180] =	vst v63  }
0xa5: {  	_ = 	snop  }
0xa6: {  	[tilespmem:s28], [sflag:$0x5] =	stream.indirect_vreg.gather [hbm4b:s4+s2], $0x80, v4, vm1, $0x2000b8;
	[tilespmem:$0x18180] =	vst v63  }
0xa7: {  	_ = 	snop  }
0xa8: {  	[tilespmem:s29], [sflag:$0x5] =	stream.indirect_vreg.gather [hbm4b:s3+s2], $0x80, v3, vm0, $0x2000b8;
	[tilespmem:$0x18180] =	vst v63  }
0xa9: {  	_ = 	snop  }
0xaa: {  	[tilespmem:s30], [sflag:$0x5] =	stream.indirect_vreg.gather [hbm4b:s4+s2], $0x80, v3, vm1, $0x2000b8;
	[tilespmem:$0x18180] =	vst v63  }
0xab: {  	_ =	swait.ge [sflag:s31], $0xC000  }
0xac: {  	[sflag:s31] =	ssyncset.done $0x0  }
0xad: {  	[sflag:s31] =	ssyncadd.s32 $0xFFFF4000  }
0xae: {  	_ =	strace $0x90000051  }
0xaf: {  	_ =	strace $0x80000052  }
0xb0: {  	s8 =	rddreg [dreg:$0x4]  }
0xb1: {  	[hbm4b:s8+s2] =	stream.linear.scatter [tilespmem:s7], [sflag:$0x3], $0xC000, $0x200038;
	[tilespmem:$0x18180] =	vst v63  }
0xb2: {  	p0 =	sne.s32 s5, $0x1;
	_ =	strace $0x90000052  }
.Ltmp0:
0xb3: {  	_ =	strace $0x80000053;
	(pc) =	sbr.rel @p0 .LBB2_1-.Ltmp0, $4  }
0xb4: {  	_ =	swait.ge [sflag:s1], $0xC000  }
0xb5: {  	[sflag:s1] =	ssyncset.done $0x0  }
0xb6: {  	[sflag:s1] =	ssyncadd.s32 $0xFFFF4000  }
0xb7: {  	s5 =	sadd.s32 $0xFFFFFFFF, s5;
	_ =	strace $0x90000053  }
0xb8: {  	_ =	sfence.sel $0x180000  }
0xb9: {  	[bflag:$0x0] =	sbarrier.arrive $0xFFFF  }
0xba: {  	_ =	strace $0x9000004E  }
0xbb: {  	s0 =	stileid.u32;
	[bflag:$0x2] =	sbarrier.arrive $0xFFFF  }
0xbc: {  	p0 =	sne.s32 s0, $0x0;
	s0 =	rddreg [dreg:$0x2]  }
0xbd: {  	s0 =	sadd.s32 @!p0 $0x100000, s0  }
0xbe: {  	[sflag:s0] =	ssyncadd.tile.s32 @!p0 $0x1;
	_ =	shalt  }
.Lfunc_end2:
_tile_overlayer_lowered:
.L_overlay_start_2:
0xbf: {  	(tag) =	ssettag $0x2  }
0xc0: {  	s0 =	rddreg [dreg:$0x0];
	s2 =	stileid.u32  }
0xc1: {  	s1 =	rddreg [dreg:$0x1];
	p0 =	sne.s32 s2, $0x0  }
0xc2: {  	s3 =	rddreg [dreg:$0x2];
	[bflag:$0x3] =	sbarrier.arrive $0xFFFF;
	s2 =	simm.s32 @!p0 $0x1C01  }
0xc3: {  	[timem:s3], [sflag:s2] =	dma.local @!p0 [hbm:s0], s1  }
0xc4: {  	s0 =	simm.s32 @!p0 $0x1  }
0xc5: {  	_ =	swait.ge @!p0 [sflag:s0], s1  }
0xc6: {  	s1 =	ssub.s32 @!p0 $0x0, s1;
	[sflag:s0] =	ssyncset.done @!p0 $0x0  }
0xc7: {  	[sflag:s0] =	ssyncadd.s32 @!p0 s1  }
0xc8: {  	[bflag:$0x3] =	sbarrier.arrive $0xFFFF  }
0xc9: {  	_ =	shalt  }

// kernel: kernel.7.cloned.1.call-start
scs
__scs_entry_jumppad:
0x0: {  	(pc) =	sbr.rel $0x88, $3  }
0x1: {  	(tag) =	ssettag $0x0;
	lr =	simm.s32 $0x1  }
0x2: {  	[smem:$0x3F9B] =	sst lr;
	_ =	strace $0xD0000000  }
0x3: {  	_ = 	snop  }
0x4: {  	_ = 	snop  }
0x5: {  	_ = 	snop  }
0x6: {  	_ = 	snop  }
0x7: {  	_ = 	snop  }
__scs_overlays_trampoline_lowered:
0x8: {  	[smem:$0x3FAA] =	sst s0  }
0x9: {  	[smem:$0x3FAB] =	sst s1  }
0xa: {  	[smem:$0x3FAC] =	sst s2  }
0xb: {  	[smem:$0x3FAD] =	sst s3  }
0xc: {  	[smem:$0x3FAE] =	sst s4  }
0xd: {  	[smem:$0x3FAF] =	sst s5  }
0xe: {  	[smem:$0x3FB0] =	sst s6  }
0xf: {  	[smem:$0x3FB1] =	sst s7  }
0x10: {  	[smem:$0x3FB2] =	sst s8  }
0x11: {  	[smem:$0x3FB3] =	sst s9;
	s0 =	simm.s32 @!p0 $0x0  }
0x12: {  	s1 =	sld [smem:$0x3F99];
	s0 =	simm.s32 @p0 $0x1  }
0x13: {  	[smem:$0x3FB4] =	sst s0;
	s0 =	simm.s32 @!p1 $0x0  }
0x14: {  	s2 =	sld [smem:$0x3F98];
	s0 =	simm.s32 @p1 $0x1  }
0x15: {  	[smem:$0x3FB5] =	sst s0;
	s0 =	simm.s32 @!p2 $0x0  }
0x16: {  	s3 =	sld [smem:$0x3FDB];
	s0 =	simm.s32 @p2 $0x1  }
0x17: {  	s4 =	simm.s32 $0x1BF5;
	[smem:$0x3FB7] =	sst s0  }
0x18: {  	s0 =	sld [smem:$0x3F9A];
	_ =	swait.ge [sflag:s4], $0x0  }
0x19: {  	s7 =	sld [smem:$0x3F9B]  }
0x1a: {  	s8 =	sadd.s32 $0xFFFFE003, lr  }
0x1b: {  	s9 =	sadd.s32 $0xFFFFFEF7, lr;
	s5 =	simm.s32 $0xFFFFFFFF;
	p2 =	slt.u32 s8, $0xFFFFF086  }
0x1c: {  	p1 =	slt.u32 s9, $0xF7A;
	s5 =	simm.s32 @!p2 $0x0  }
0x1d: {  	s5 =	simm.s32 @p1 $0x1;
	p0 =	seq.s32 s7, s2  }
0x1e: {  	s7 =	smul.u32 @!p0 $0xF7A, s2;
	p2 =	seq.s32 @!p0 s5, $0x0  }
0x1f: {  	s9 =	smul.u32 $0xF7A, s1;
	s8 =	simm.s32 @!p0 $0x1BF5;
	p2 =	por !p2, p0  }
0x20: {  	[sflag:s8] =	ssyncset.s32 @!p0 $0xFFFFF086;
	s6 =	sadd.s32 @!p0 s3, s7;
	s7 =	simm.s32 @!p0 $0x108  }
0x21: {  	s3 =	sadd.s32 s3, s9;
	s6 =	sadd.s32 @!p0 $0x88, s6;
	s7 =	simm.s32 @p2 $0x1082  }
0x22: {  	[simem:s7], [sflag:s8] =	dma.local @!p0 [hbm:s6], $0xF7A  }
0x23: {  	s9 =	sor.u32 $0xD0000000, s2;
	s6 =	simm.s32 $0x108;
	_ =	swait.ge @!p0 [sflag:s8], $0x0  }
0x24: {  	s3 =	sadd.s32 $0x88, s3;
	s6 =	simm.s32 @!p1 $0x1082;
	[sflag:s4] =	ssyncset.s32 $0xFFFFF086  }
0x25: {  	[simem:s6], [sflag:s4] =	dma.local [hbm:s3], $0xF7A  }
0x26: {  	[smem:$0x3F9B] =	sst s1;
	(tag) =	ssettag s2;
	_ =	strace s9  }
0x27: {  	s1 =	sld [smem:$0x3FAB]  }
0x28: {  	s2 =	sld [smem:$0x3FAC]  }
0x29: {  	s4 =	sld [smem:$0x3FAE]  }
0x2a: {  	p0 =	seq.s32 s5, $0x0;
	s5 =	sld [smem:$0x3FAF]  }
0x2b: {  	s6 =	sld [smem:$0x3FB0]  }
0x2c: {  	s7 =	sld [smem:$0x3FB1]  }
0x2d: {  	s3 =	simm.s32 $0x108;
	s8 =	sld [smem:$0x3FB2]  }
0x2e: {  	s3 =	simm.s32 @!p0 $0x1082;
	s9 =	sld [smem:$0x3FB3]  }
0x2f: {  	lr =	sadd.s32 s0, s3;
	s0 =	sld [smem:$0x3FAA]  }
0x30: {  	s3 =	sld [smem:$0x3FAD]  }
0x31: {  	[smem:$0x3FB6] =	sst s10  }
0x32: {  	s10 =	sld [smem:$0x3FB4];
	_ =	sdelay $0x3  }
0x33: {  	p0 =	seq.s32 s10, $0x1;
	s10 =	sld [smem:$0x3FB6];
	_ =	sdelay $0x3  }
0x34: {  	[smem:$0x3FB6] =	sst s10  }
0x35: {  	s10 =	sld [smem:$0x3FB5];
	_ =	sdelay $0x3  }
0x36: {  	p1 =	seq.s32 s10, $0x1;
	s10 =	sld [smem:$0x3FB6];
	_ =	sdelay $0x3  }
0x37: {  	[smem:$0x3FB6] =	sst s10  }
0x38: {  	s10 =	sld [smem:$0x3FB7]  }
0x39: {  	_ = 	snop;
	(pc) =	sbr.ind lr, $3  }
0x3a: {  	_ = 	snop  }
0x3b: {  	_ = 	snop  }
0x3c: {  	p2 =	seq.s32 s10, $0x1;
	s10 =	sld [smem:$0x3FB6]  }
0x3d: {  	_ =	shalt  }
0x3e: {  	_ =	shalt  }
0x3f: {  	_ =	shalt  }
0x40: {  	_ =	shalt  }
0x41: {  	_ =	shalt  }
0x42: {  	_ =	shalt  }
0x43: {  	_ =	shalt  }
0x44: {  	_ =	shalt  }
0x45: {  	_ =	shalt  }
0x46: {  	_ =	shalt  }
0x47: {  	_ =	shalt  }
0x48: {  	_ =	shalt  }
0x49: {  	_ =	shalt  }
0x4a: {  	_ =	shalt  }
0x4b: {  	_ =	shalt  }
0x4c: {  	_ =	shalt  }
0x4d: {  	_ =	shalt  }
0x4e: {  	_ =	shalt  }
0x4f: {  	_ =	shalt  }
0x50: {  	_ =	shalt  }
0x51: {  	_ =	shalt  }
0x52: {  	_ =	shalt  }
0x53: {  	_ =	shalt  }
0x54: {  	_ =	shalt  }
0x55: {  	_ =	shalt  }
0x56: {  	_ =	shalt  }
0x57: {  	_ =	shalt  }
0x58: {  	_ =	shalt  }
0x59: {  	_ =	shalt  }
0x5a: {  	_ =	shalt  }
0x5b: {  	_ =	shalt  }
0x5c: {  	_ =	shalt  }
0x5d: {  	_ =	shalt  }
0x5e: {  	_ =	shalt  }
0x5f: {  	_ =	shalt  }
0x60: {  	_ =	shalt  }
0x61: {  	_ =	shalt  }
0x62: {  	_ =	shalt  }
0x63: {  	_ =	shalt  }
0x64: {  	_ =	shalt  }
0x65: {  	_ =	shalt  }
0x66: {  	_ =	shalt  }
0x67: {  	_ =	shalt  }
0x68: {  	_ =	shalt  }
0x69: {  	_ =	shalt  }
0x6a: {  	_ =	shalt  }
0x6b: {  	_ =	shalt  }
0x6c: {  	_ =	shalt  }
0x6d: {  	_ =	shalt  }
0x6e: {  	_ =	shalt  }
0x6f: {  	_ =	shalt  }
0x70: {  	_ =	shalt  }
0x71: {  	_ =	shalt  }
0x72: {  	_ =	shalt  }
0x73: {  	_ =	shalt  }
0x74: {  	_ =	shalt  }
0x75: {  	_ =	shalt  }
0x76: {  	_ =	shalt  }
0x77: {  	_ =	shalt  }
0x78: {  	_ =	shalt  }
0x79: {  	_ =	shalt  }
0x7a: {  	_ =	shalt  }
0x7b: {  	_ =	shalt  }
0x7c: {  	_ =	shalt  }
0x7d: {  	_ =	shalt  }
0x7e: {  	_ =	shalt  }
0x7f: {  	_ =	shalt  }
0x80: {  	_ =	shalt  }
0x81: {  	_ =	shalt  }
0x82: {  	_ =	shalt  }
0x83: {  	_ =	shalt  }
0x84: {  	_ =	shalt  }
0x85: {  	_ =	shalt  }
0x86: {  	_ =	shalt  }
0x87: {  	_ =	shalt  }
.Lfunc_end0:
.L_simem_size_0:
called_computation_lowered:
.L_overlay_start_0:
0x88: {  	s2 =	sld [smem:$0x3FD9]  }
0x89: {  	s3 =	sld [smem:$0x3FFE];
	_ =	sdelay $0x1  }
0x8a: {  	s1 =	srdreg.scid  }
0x8b: {  	s0 =	sand.u32 $0x1, s1  }
0x8c: {  	s17 =	sshll.u32 s0, $0xA;
	s2 =	sadd.s32 s3, s2  }
0x8d: {  	s2 =	sadd.s32 s2, s17  }
0x8e: {  	[smem:$0x3FC2] =	sst s2  }
0x8f: {  	_ = 	snop  }
0x90: {  	s2 =	sld [smem:$0x3FD0];
	(tm) =	ssettm $0x1  }
0x91: {  	s18 =	sld [smem:$0x3FFB];
	_ =	sdelay $0x3  }
0x92: {  	_ =	strace s18  }
0x93: {  	s3 =	sld [smem:$0x3FFC];
	_ =	sdelay $0x3  }
0x94: {  	_ =	strace s3  }
0x95: {  	s3 =	sld [smem:$0x3FFD];
	_ =	sdelay $0x3  }
0x96: {  	_ =	strace s3  }
0x97: {  	_ =	strace $0x8FFFFFFF  }
0x98: {  	s19 =	sld [smem:$0x3FDB];
	_ =	sdelay $0x1  }
0x99: {  	s4 =	simm.s32 $_scs_section_size  }
0x9a: {  	s5 =	simm.s32 $_size__tile_overlayer_lowered;
	s6 =	simm.s32 $_tile_overlayer_lowered  }
0x9b: {  	s22 =	simm.s32 $0x1BFF;
	s21 =	sshll.u32 s6, $0x1;
	s3 =	sadd.s32 s4, s19  }
0x9c: {  	s7 =	simm.s32 $0x0;
	s20 =	sshll.u32 s5, $0x1;
	s5 =	sadd.s32 s21, s3  }
0x9d: {  	[timem:s7], [sflag:s22] =	dma.local [hbm:s5], s20  }
0x9e: {  	_ =	swait.ge [sflag:s22], s20  }
0x9f: {  	s4 =	ssub.s32 $0x0, s20;
	[sflag:s22] =	ssyncset.done $0x0  }
0xa0: {  	[sflag:s22] =	ssyncadd.s32 s4;
	_ =	sdelay $0x1  }
0xa1: {  	s23 =	simm.s32 $0x1B8B  }
0xa2: {  	_ =	swait.ge [sflag:s23], $0x1  }
0xa3: {  	[sflag:s23] =	ssyncset.done $0x0  }
0xa4: {  	s25 =	simm.s32 $0x1B8E;
	s24 =	sld [smem:$0x3FFE];
	[sflag:s23] =	ssyncadd.s32 $0xFFFFFFFF  }
0xa5: {  	s26 =	simm.s32 $execute0_lowered;
	[smem:$0x3FD2] =	sst s25  }
0xa6: {  	s5 =	sshll.u32 s26, $0x1;
	_ =	strace $0x80000046;
	[dreg:$0x1] =	wrdreg $0xFFFFFFFF  }
0xa7: {  	s28 =	simm.s32 $_size_execute0_lowered;
	s3 =	sadd.s32 s3, s5;
	[dreg:$0x0] =	wrdreg $0x0  }
0xa8: {  	s5 =	sshll.u32 s28, $0x1;
	[dreg:$0x2] =	wrdreg s3  }
0xa9: {  	[dreg:$0x3] =	wrdreg s5  }
0xaa: {  	[dreg:$0x4] =	wrdreg $0xC0  }
0xab: {  	_ =	task [dreg:s7], $0x5FFFF  }
0xac: {  	[dreg:$0x1] =	wrdreg $0xFFFFFFFF  }
0xad: {  	[dreg:$0x0] =	wrdreg $0x60  }
0xae: {  	[dreg:$0x2] =	wrdreg s2  }
0xaf: {  	[dreg:$0x3] =	wrdreg s24  }
0xb0: {  	[dreg:$0x4] =	wrdreg $0x9  }
0xb1: {  	_ =	task.clear_ibuf [dreg:s7], $0x5FFFF;
	_ =	strace $0x90000046  }
0xb2: {  	s29 =	simm.s32 $0x9;
	_ =	strace $0x8000004C  }
0xb3: {  	_ =	swait.ge [sflag:s29], $0x1  }
0xb4: {  	[sflag:s29] =	ssyncadd.s32 $0xFFFFFFFF  }
0xb5: {  	_ =	strace $0x9000004C  }
0xb6: {  	_ =	sfence  }
0xb7: {  	s30 =	sld [smem:$0x0];
	_ =	sdelay $0x2  }
0xb8: {  	s31 =	sshll.u32 s1, $0xD;
	s1 =	sshrl.u32 s1, $0x2  }
0xb9: {  	s3 =	sand.u32 $0x4000, s31;
	s1 =	sadd.s32 s1, s30  }
0xba: {  	s0 =	sor.u32 s3, s0;
	s1 =	sshll.u32 s1, $0x11  }
0xbb: {  	s0 =	sor.u32 s1, s0  }
0xbc: {  	s0 =	sadd.s32 $0x8F2B, s0  }
0xbd: {  	[sflag:s0] =	ssyncadd.remote.s32 $0x1  }
0xbe: {  	_ =	sfence.sel $0xFFFF  }
0xbf: {  	[dreg:$0x0] =	wrdreg $0xFFFFFFFF;
	(pc) =	sbr.abs _section_cstart, $3  }
0xc0: {  	[dreg:$0x1] =	wrdreg $0xFFFFFFFF  }
0xc1: {  	_ =	task.clear_ibuf [dreg:s7], $0x2FFFF;
	_ =	strace $0x9FFFFFFF  }
0xc2: {  	(tm) =	ssettm $0x7FFFFFFF  }
0xc3: {  	_ =	shalt  }
tec
execute0_lowered:
.L_overlay_start_1:
0x0: {  	(tag) =	ssettag $0x1  }
0x1: {  	s2 =	rddreg [dreg:$0x0]  }
0x2: {  	s0 =	rddreg [dreg:$0x1]  }
0x3: {  	s1 =	srdreg.scid;
	s5 =	stileid.u32;
	s3 =	simm.s32 $0x0  }
0x4: {  	s25 =	simm.s32 $0xC000;
	s26 =	simm.s32 $0xC100;
	s18 =	simm.s32 $0x5  }
0x5: {  	s23 =	simm.s32 $0x2000;
	s24 =	simm.s32 $0x2400;
	s28 =	simm.s32 $0x3800  }
0x6: {  	s29 =	simm.s32 $0x3C00;
	s30 =	simm.s32 $0x4400;
	s31 =	simm.s32 $0x4800  }
0x7: {  	s10 =	simm.s32 $0x5C00;
	s11 =	simm.s32 $0x6000;
	s12 =	simm.s32 $0x6800  }
0x8: {  	s13 =	simm.s32 $0x6C00;
	s14 =	simm.s32 $0x7400;
	s15 =	simm.s32 $0x7800  }
0x9: {  	s16 =	simm.s32 $0x8000;
	s17 =	simm.s32 $0x8400;
	s8 =	simm.s32 $0x8C00  }
0xa: {  	s9 =	simm.s32 $0x9000;
	s1 =	sand.u32 $0x1, s1;
	[smem:$0x7FF] =	sst s3  }
0xb: {  	s5 =	sshll.u32 s5, $0x4;
	s4 =	sshll.u32 s1, $0x8;
	_ =	strace $0x80000047  }
0xc: {  	s1 =	ssub.s32 $0x2, s1;
	[dreg:$0x5] =	wrdreg s25;
	s4 =	sor.u32 s5, s4  }
0xd: {  	[dreg:$0x6] =	wrdreg s26;
	s25 =	simm.s32 $0x2C00;
	s5 =	sadd.s32 s4, s0  }
0xe: {  	s26 =	simm.s32 $0x3000;
	s6 =	sshrl.u32 s1, $0x1;
	s7 =	sadd.s32 $0x1200, s5  }
0xf: {  	v2 =	vlaneseq.u32;
	s4 =	sadd.s32 $0x1600, s0;
	s5 =	sadd.s32 $0x1400, s5;
	[dreg:$0x3] =	wrdreg s7  }
0x10: {  	vm0 =	vmmov $0xffff;
	vm1 =	vmmov $0xff;
	v1 =	vshrl.u32 v2, $0x3;
	s1 =	ssub.s32 s1, s6;
	s6 =	sadd.s32 $0x1700, s0;
	[dreg:$0x4] =	wrdreg s5  }
0x11: {  	v0 =	vand.u32 $0x7, v2;
	v2 =	vor.u32 $0x8, v2;
	v1 =	vmul.u32 $0x8, v1;
	s5 =	sadd.s32 $0x100, s2;
	s7 =	smax.u32 s1, $0x1;
	s1 =	simm.s32 $0x5400  }
.LBB2_1:
0x12: {  	_ =	strace $0x80000048  }
0x13: {  	s19 =	rddreg [dreg:$0x3]  }
0x14: {  	s20 =	rddreg [dreg:$0x5]  }
0x15: {  	s21 =	rddreg [dreg:$0x4]  }
0x16: {  	[tilespmem:s20], [sflag:$0x1] =	stream.linear.gather [hbm4b:s19+s3], $0x80, $0x200038;
	[tilespmem:$0xC200] =	vst v63  }
0x17: {  	s22 =	rddreg [dreg:$0x6]  }
0x18: {  	[tilespmem:s22], [sflag:$0x3] =	stream.linear.gather [hbm4b:s21+s3], $0x80, $0x200038;
	[tilespmem:$0xC200] =	vst v63  }
0x19: {  	_ =	strace $0x90000048  }
0x1a: {  	s0 =	simm.s32 $0x1;
	_ =	strace $0x80000049  }
0x1b: {  	_ =	swait.ge [sflag:s0], $0x80  }
0x1c: {  	[sflag:s0] =	ssyncset.done $0x0  }
0x1d: {  	[sflag:s0] =	ssyncadd.s32 $0xFFFFFF80  }
0x1e: {  	_ =	strace $0x90000049  }
0x1f: {  	s22 =	simm.s32 $0x3;
	_ =	strace $0x8000004A  }
0x20: {  	_ =	swait.ge [sflag:s22], $0x80  }
0x21: {  	[sflag:s22] =	ssyncset.done $0x0  }
0x22: {  	[sflag:s22] =	ssyncadd.s32 $0xFFFFFF80  }
0x23: {  	_ =	strace $0x9000004A  }
0x24: {  	_ =	strace $0x8000004B  }
0x25: {  	v3 =	vld [tilespmem:$0xC000];
	_ =	sdelay $0x4  }
0x26: {  	v4 =	vshrl.u32 v3, $0x3  }
0x27: {  	v4 =	vmul.u32 $0x18, v4  }
0x28: {  	v3 =	vand.u32 $0x7, v3  }
0x29: {  	v3 =	vor.u32 v3, v4  }
0x2a: {  	v4 =	vperm.xlane v3, v0;
	_ =	sdelay $0x1  }
0x2b: {  	v4 =	vadd.s32 v1, v4;
	_ =	sdelay $0x1  }
0x2c: {  	v3 =	vperm.xlane v3, v2;
	_ =	sdelay $0x1  }
0x2d: {  	v3 =	vadd.s32 v1, v3  }
0x2e: {  	[tilespmem:s3], [sflag:$0x5] =	stream.indirect_vreg.gather [hbm4b:s2+s3], $0x80, v4, vm0, $0x2000b8;
	[tilespmem:$0xC200] =	vst v63  }
0x2f: {  	s19 =	simm.s32 $0x800  }
0x30: {  	[tilespmem:s19], [sflag:$0x5] =	stream.indirect_vreg.gather [hbm4b:s5+s3], $0x80, v4, vm1, $0x2000b8;
	[tilespmem:$0xC200] =	vst v63  }
0x31: {  	s20 =	simm.s32 $0xC00  }
0x32: {  	[tilespmem:s20], [sflag:$0x5] =	stream.indirect_vreg.gather [hbm4b:s2+s3], $0x80, v3, vm0, $0x2000b8;
	[tilespmem:$0xC200] =	vst v63  }
0x33: {  	s21 =	simm.s32 $0x1400  }
0x34: {  	[tilespmem:s21], [sflag:$0x5] =	stream.indirect_vreg.gather [hbm4b:s5+s3], $0x80, v3, vm1, $0x2000b8;
	[tilespmem:$0xC200] =	vst v63  }
0x35: {  	v3 =	vld [tilespmem:$0xC010];
	_ =	sdelay $0x4  }
0x36: {  	v49 =	vshrl.u32 v3, $0x3  }
0x37: {  	v4 =	vmul.u32 $0x18, v49  }
0x38: {  	v3 =	vand.u32 $0x7, v3  }
0x39: {  	v3 =	vor.u32 v3, v4  }
0x3a: {  	v4 =	vperm.xlane v3, v0;
	_ =	sdelay $0x1  }
0x3b: {  	v4 =	vadd.s32 v1, v4;
	_ =	sdelay $0x1  }
0x3c: {  	v3 =	vperm.xlane v3, v2;
	_ =	sdelay $0x1  }
0x3d: {  	s22 =	simm.s32 $0x1800;
	v3 =	vadd.s32 v1, v3  }
0x3e: {  	[tilespmem:s22], [sflag:$0x5] =	stream.indirect_vreg.gather [hbm4b:s2+s3], $0x80, v4, vm0, $0x2000b8;
	[tilespmem:$0xC200] =	vst v63  }
0x3f: {  	_ = 	snop  }
0x40: {  	[tilespmem:s23], [sflag:$0x5] =	stream.indirect_vreg.gather [hbm4b:s5+s3], $0x80, v4, vm1, $0x2000b8;
	[tilespmem:$0xC200] =	vst v63  }
0x41: {  	_ = 	snop  }
0x42: {  	[tilespmem:s24], [sflag:$0x5] =	stream.indirect_vreg.gather [hbm4b:s2+s3], $0x80, v3, vm0, $0x2000b8;
	[tilespmem:$0xC200] =	vst v63  }
0x43: {  	_ = 	snop  }
0x44: {  	[tilespmem:s25], [sflag:$0x5] =	stream.indirect_vreg.gather [hbm4b:s5+s3], $0x80, v3, vm1, $0x2000b8;
	[tilespmem:$0xC200] =	vst v63  }
0x45: {  	v3 =	vld [tilespmem:$0xC020];
	_ =	sdelay $0x4  }
0x46: {  	v50 =	vshrl.u32 v3, $0x3  }
0x47: {  	v4 =	vmul.u32 $0x18, v50  }
0x48: {  	v3 =	vand.u32 $0x7, v3  }
0x49: {  	v3 =	vor.u32 v3, v4  }
0x4a: {  	v4 =	vperm.xlane v3, v0;
	_ =	sdelay $0x1  }
0x4b: {  	v4 =	vadd.s32 v1, v4;
	_ =	sdelay $0x1  }
0x4c: {  	v3 =	vperm.xlane v3, v2;
	_ =	sdelay $0x1  }
0x4d: {  	v3 =	vadd.s32 v1, v3  }
0x4e: {  	[tilespmem:s26], [sflag:$0x5] =	stream.indirect_vreg.gather [hbm4b:s2+s3], $0x80, v4, vm0, $0x2000b8;
	[tilespmem:$0xC200] =	vst v63  }
0x4f: {  	_ = 	snop  }
0x50: {  	[tilespmem:s28], [sflag:$0x5] =	stream.indirect_vreg.gather [hbm4b:s5+s3], $0x80, v4, vm1, $0x2000b8;
	[tilespmem:$0xC200] =	vst v63  }
0x51: {  	_ = 	snop  }
0x52: {  	[tilespmem:s29], [sflag:$0x5] =	stream.indirect_vreg.gather [hbm4b:s2+s3], $0x80, v3, vm0, $0x2000b8;
	[tilespmem:$0xC200] =	vst v63  }
0x53: {  	_ = 	snop  }
0x54: {  	[tilespmem:s30], [sflag:$0x5] =	stream.indirect_vreg.gather [hbm4b:s5+s3], $0x80, v3, vm1, $0x2000b8;
	[tilespmem:$0xC200] =	vst v63  }
0x55: {  	v3 =	vld [tilespmem:$0xC030];
	_ =	sdelay $0x4  }
0x56: {  	v51 =	vshrl.u32 v3, $0x3  }
0x57: {  	v4 =	vmul.u32 $0x18, v51  }
0x58: {  	v3 =	vand.u32 $0x7, v3  }
0x59: {  	v3 =	vor.u32 v3, v4  }
0x5a: {  	v4 =	vperm.xlane v3, v0;
	_ =	sdelay $0x1  }
0x5b: {  	v4 =	vadd.s32 v1, v4;
	_ =	sdelay $0x1  }
0x5c: {  	v3 =	vperm.xlane v3, v2;
	_ =	sdelay $0x1  }
0x5d: {  	v3 =	vadd.s32 v1, v3  }
0x5e: {  	[tilespmem:s31], [sflag:$0x5] =	stream.indirect_vreg.gather [hbm4b:s2+s3], $0x80, v4, vm0, $0x2000b8;
	[tilespmem:$0xC200] =	vst v63  }
0x5f: {  	s0 =	simm.s32 $0x5000  }
0x60: {  	[tilespmem:s0], [sflag:$0x5] =	stream.indirect_vreg.gather [hbm4b:s5+s3], $0x80, v4, vm1, $0x2000b8;
	[tilespmem:$0xC200] =	vst v63  }
0x61: {  	_ = 	snop  }
0x62: {  	[tilespmem:s1], [sflag:$0x5] =	stream.indirect_vreg.gather [hbm4b:s2+s3], $0x80, v3, vm0, $0x2000b8;
	[tilespmem:$0xC200] =	vst v63  }
0x63: {  	_ = 	snop  }
0x64: {  	[tilespmem:s10], [sflag:$0x5] =	stream.indirect_vreg.gather [hbm4b:s5+s3], $0x80, v3, vm1, $0x2000b8;
	[tilespmem:$0xC200] =	vst v63  }
0x65: {  	v3 =	vld [tilespmem:$0xC040];
	_ =	sdelay $0x4  }
0x66: {  	v52 =	vshrl.u32 v3, $0x3  }
0x67: {  	v4 =	vmul.u32 $0x18, v52  }
0x68: {  	v3 =	vand.u32 $0x7, v3  }
0x69: {  	v3 =	vor.u32 v3, v4  }
0x6a: {  	v4 =	vperm.xlane v3, v0;
	_ =	sdelay $0x1  }
0x6b: {  	v4 =	vadd.s32 v1, v4;
	_ =	sdelay $0x1  }
0x6c: {  	v3 =	vperm.xlane v3, v2;
	_ =	sdelay $0x1  }
0x6d: {  	v3 =	vadd.s32 v1, v3  }
0x6e: {  	[tilespmem:s11], [sflag:$0x5] =	stream.indirect_vreg.gather [hbm4b:s2+s3], $0x80, v4, vm0, $0x2000b8;
	[tilespmem:$0xC200] =	vst v63  }
0x6f: {  	_ = 	snop  }
0x70: {  	[tilespmem:s12], [sflag:$0x5] =	stream.indirect_vreg.gather [hbm4b:s5+s3], $0x80, v4, vm1, $0x2000b8;
	[tilespmem:$0xC200] =	vst v63  }
0x71: {  	_ = 	snop  }
0x72: {  	[tilespmem:s13], [sflag:$0x5] =	stream.indirect_vreg.gather [hbm4b:s2+s3], $0x80, v3, vm0, $0x2000b8;
	[tilespmem:$0xC200] =	vst v63  }
0x73: {  	_ = 	snop  }
0x74: {  	[tilespmem:s14], [sflag:$0x5] =	stream.indirect_vreg.gather [hbm4b:s5+s3], $0x80, v3, vm1, $0x2000b8;
	[tilespmem:$0xC200] =	vst v63  }
0x75: {  	v3 =	vld [tilespmem:$0xC050];
	_ =	sdelay $0x4  }
0x76: {  	v53 =	vshrl.u32 v3, $0x3  }
0x77: {  	v4 =	vmul.u32 $0x18, v53  }
0x78: {  	v3 =	vand.u32 $0x7, v3  }
0x79: {  	v3 =	vor.u32 v3, v4  }
0x7a: {  	v4 =	vperm.xlane v3, v0;
	_ =	sdelay $0x1  }
0x7b: {  	v4 =	vadd.s32 v1, v4;
	_ =	sdelay $0x1  }
0x7c: {  	v3 =	vperm.xlane v3, v2;
	_ =	sdelay $0x1  }
0x7d: {  	v3 =	vadd.s32 v1, v3  }
0x7e: {  	[tilespmem:s15], [sflag:$0x5] =	stream.indirect_vreg.gather [hbm4b:s2+s3], $0x80, v4, vm0, $0x2000b8;
	[tilespmem:$0xC200] =	vst v63  }
0x7f: {  	_ = 	snop  }
0x80: {  	[tilespmem:s16], [sflag:$0x5] =	stream.indirect_vreg.gather [hbm4b:s5+s3], $0x80, v4, vm1, $0x2000b8;
	[tilespmem:$0xC200] =	vst v63  }
0x81: {  	_ = 	snop  }
0x82: {  	[tilespmem:s17], [sflag:$0x5] =	stream.indirect_vreg.gather [hbm4b:s2+s3], $0x80, v3, vm0, $0x2000b8;
	[tilespmem:$0xC200] =	vst v63  }
0x83: {  	_ = 	snop  }
0x84: {  	[tilespmem:s8], [sflag:$0x5] =	stream.indirect_vreg.gather [hbm4b:s5+s3], $0x80, v3, vm1, $0x2000b8;
	[tilespmem:$0xC200] =	vst v63  }
0x85: {  	v3 =	vld [tilespmem:$0xC060];
	_ =	sdelay $0x4  }
0x86: {  	v54 =	vshrl.u32 v3, $0x3  }
0x87: {  	v4 =	vmul.u32 $0x18, v54  }
0x88: {  	v3 =	vand.u32 $0x7, v3  }
0x89: {  	v3 =	vor.u32 v3, v4  }
0x8a: {  	v4 =	vperm.xlane v3, v0;
	_ =	sdelay $0x1  }
0x8b: {  	v4 =	vadd.s32 v1, v4;
	_ =	sdelay $0x1  }
0x8c: {  	v3 =	vperm.xlane v3, v2;
	_ =	sdelay $0x1  }
0x8d: {  	v3 =	vadd.s32 v1, v3  }
0x8e: {  	[tilespmem:s9], [sflag:$0x5] =	stream.indirect_vreg.gather [hbm4b:s2+s3], $0x80, v4, vm0, $0x2000b8;
	[tilespmem:$0xC200] =	vst v63  }
0x8f: {  	s0 =	simm.s32 $0x9800  }
0x90: {  	[tilespmem:s0], [sflag:$0x5] =	stream.indirect_vreg.gather [hbm4b:s5+s3], $0x80, v4, vm1, $0x2000b8;
	[tilespmem:$0xC200] =	vst v63  }
0x91: {  	s0 =	simm.s32 $0x9C00  }
0x92: {  	[tilespmem:s0], [sflag:$0x5] =	stream.indirect_vreg.gather [hbm4b:s2+s3], $0x80, v3, vm0, $0x2000b8;
	[tilespmem:$0xC200] =	vst v63  }
0x93: {  	s0 =	simm.s32 $0xA400  }
0x94: {  	[tilespmem:s0], [sflag:$0x5] =	stream.indirect_vreg.gather [hbm4b:s5+s3], $0x80, v3, vm1, $0x2000b8;
	[tilespmem:$0xC200] =	vst v63  }
0x95: {  	v3 =	vld [tilespmem:$0xC070];
	_ =	sdelay $0x4  }
0x96: {  	v55 =	vshrl.u32 v3, $0x3  }
0x97: {  	v4 =	vmul.u32 $0x18, v55  }
0x98: {  	v3 =	vand.u32 $0x7, v3  }
0x99: {  	v3 =	vor.u32 v3, v4  }
0x9a: {  	v4 =	vperm.xlane v3, v0;
	_ =	sdelay $0x1  }
0x9b: {  	v4 =	vadd.s32 v1, v4;
	_ =	sdelay $0x1  }
0x9c: {  	v3 =	vperm.xlane v3, v2;
	_ =	sdelay $0x1  }
0x9d: {  	s0 =	simm.s32 $0xA800;
	v3 =	vadd.s32 v1, v3  }
0x9e: {  	[tilespmem:s0], [sflag:$0x5] =	stream.indirect_vreg.gather [hbm4b:s2+s3], $0x80, v4, vm0, $0x2000b8;
	[tilespmem:$0xC200] =	vst v63  }
0x9f: {  	s0 =	simm.s32 $0xB000  }
0xa0: {  	[tilespmem:s0], [sflag:$0x5] =	stream.indirect_vreg.gather [hbm4b:s5+s3], $0x80, v4, vm1, $0x2000b8;
	[tilespmem:$0xC200] =	vst v63  }
0xa1: {  	s0 =	simm.s32 $0xB400  }
0xa2: {  	[tilespmem:s0], [sflag:$0x5] =	stream.indirect_vreg.gather [hbm4b:s2+s3], $0x80, v3, vm0, $0x2000b8;
	[tilespmem:$0xC200] =	vst v63  }
0xa3: {  	s0 =	simm.s32 $0xBC00  }
0xa4: {  	[tilespmem:s0], [sflag:$0x5] =	stream.indirect_vreg.gather [hbm4b:s5+s3], $0x80, v3, vm1, $0x2000b8;
	[tilespmem:$0xC200] =	vst v63  }
0xa5: {  	_ =	swait.ge [sflag:s18], $0xC000  }
0xa6: {  	[sflag:s18] =	ssyncset.done $0x0  }
0xa7: {  	[sflag:s18] =	ssyncadd.s32 $0xFFFF4000  }
0xa8: {  	v3 =	vld [tilespmem:$0xC100];
	_ =	sdelay $0x4  }
0xa9: {  	v56 =	vshrl.u32 v3, $0x3  }
0xaa: {  	v4 =	vmul.u32 $0x18, v56  }
0xab: {  	v3 =	vand.u32 $0x7, v3  }
0xac: {  	v3 =	vor.u32 v3, v4  }
0xad: {  	v4 =	vperm.xlane v3, v0;
	_ =	sdelay $0x1  }
0xae: {  	v4 =	vadd.s32 v1, v4;
	_ =	sdelay $0x1  }
0xaf: {  	v3 =	vperm.xlane v3, v2;
	_ =	sdelay $0x1  }
0xb0: {  	v3 =	vadd.s32 v1, v3  }
0xb1: {  	[hbm4b:s4+s3] =	stream.indirect_vreg.scatter [tilespmem:s3], [sflag:$0x5], $0x80, v4, vm0, $0x2000b8;
	[tilespmem:$0xC200] =	vst v63  }
0xb2: {  	_ = 	snop  }
0xb3: {  	[hbm4b:s6+s3] =	stream.indirect_vreg.scatter [tilespmem:s19], [sflag:$0x5], $0x80, v4, vm1, $0x2000b8;
	[tilespmem:$0xC200] =	vst v63  }
0xb4: {  	_ = 	snop  }
0xb5: {  	[hbm4b:s4+s3] =	stream.indirect_vreg.scatter [tilespmem:s20], [sflag:$0x5], $0x80, v3, vm0, $0x2000b8;
	[tilespmem:$0xC200] =	vst v63  }
0xb6: {  	_ = 	snop  }
0xb7: {  	[hbm4b:s6+s3] =	stream.indirect_vreg.scatter [tilespmem:s21], [sflag:$0x5], $0x80, v3, vm1, $0x2000b8;
	[tilespmem:$0xC200] =	vst v63  }
0xb8: {  	v3 =	vld [tilespmem:$0xC110];
	_ =	sdelay $0x4  }
0xb9: {  	v57 =	vshrl.u32 v3, $0x3  }
0xba: {  	v4 =	vmul.u32 $0x18, v57  }
0xbb: {  	v3 =	vand.u32 $0x7, v3  }
0xbc: {  	v3 =	vor.u32 v3, v4  }
0xbd: {  	v4 =	vperm.xlane v3, v0;
	_ =	sdelay $0x1  }
0xbe: {  	v4 =	vadd.s32 v1, v4;
	_ =	sdelay $0x1  }
0xbf: {  	v3 =	vperm.xlane v3, v2;
	_ =	sdelay $0x1  }
0xc0: {  	v3 =	vadd.s32 v1, v3  }
0xc1: {  	[hbm4b:s4+s3] =	stream.indirect_vreg.scatter [tilespmem:s22], [sflag:$0x5], $0x80, v4, vm0, $0x2000b8;
	[tilespmem:$0xC200] =	vst v63  }
0xc2: {  	_ = 	snop  }
0xc3: {  	[hbm4b:s6+s3] =	stream.indirect_vreg.scatter [tilespmem:s23], [sflag:$0x5], $0x80, v4, vm1, $0x2000b8;
	[tilespmem:$0xC200] =	vst v63  }
0xc4: {  	_ = 	snop  }
0xc5: {  	[hbm4b:s4+s3] =	stream.indirect_vreg.scatter [tilespmem:s24], [sflag:$0x5], $0x80, v3, vm0, $0x2000b8;
	[tilespmem:$0xC200] =	vst v63  }
0xc6: {  	_ = 	snop  }
0xc7: {  	[hbm4b:s6+s3] =	stream.indirect_vreg.scatter [tilespmem:s25], [sflag:$0x5], $0x80, v3, vm1, $0x2000b8;
	[tilespmem:$0xC200] =	vst v63  }
0xc8: {  	v3 =	vld [tilespmem:$0xC120];
	_ =	sdelay $0x4  }
0xc9: {  	v58 =	vshrl.u32 v3, $0x3  }
0xca: {  	v4 =	vmul.u32 $0x18, v58  }
0xcb: {  	v3 =	vand.u32 $0x7, v3  }
0xcc: {  	v3 =	vor.u32 v3, v4  }
0xcd: {  	v4 =	vperm.xlane v3, v0;
	_ =	sdelay $0x1  }
0xce: {  	v4 =	vadd.s32 v1, v4;
	_ =	sdelay $0x1  }
0xcf: {  	v3 =	vperm.xlane v3, v2;
	_ =	sdelay $0x1  }
0xd0: {  	v3 =	vadd.s32 v1, v3  }
0xd1: {  	[hbm4b:s4+s3] =	stream.indirect_vreg.scatter [tilespmem:s26], [sflag:$0x5], $0x80, v4, vm0, $0x2000b8;
	[tilespmem:$0xC200] =	vst v63  }
0xd2: {  	_ = 	snop  }
0xd3: {  	[hbm4b:s6+s3] =	stream.indirect_vreg.scatter [tilespmem:s28], [sflag:$0x5], $0x80, v4, vm1, $0x2000b8;
	[tilespmem:$0xC200] =	vst v63  }
0xd4: {  	_ = 	snop  }
0xd5: {  	[hbm4b:s4+s3] =	stream.indirect_vreg.scatter [tilespmem:s29], [sflag:$0x5], $0x80, v3, vm0, $0x2000b8;
	[tilespmem:$0xC200] =	vst v63  }
0xd6: {  	_ = 	snop  }
0xd7: {  	[hbm4b:s6+s3] =	stream.indirect_vreg.scatter [tilespmem:s30], [sflag:$0x5], $0x80, v3, vm1, $0x2000b8;
	[tilespmem:$0xC200] =	vst v63  }
0xd8: {  	v3 =	vld [tilespmem:$0xC130];
	_ =	sdelay $0x4  }
0xd9: {  	v59 =	vshrl.u32 v3, $0x3  }
0xda: {  	v4 =	vmul.u32 $0x18, v59  }
0xdb: {  	v3 =	vand.u32 $0x7, v3  }
0xdc: {  	v3 =	vor.u32 v3, v4  }
0xdd: {  	v4 =	vperm.xlane v3, v0;
	_ =	sdelay $0x1  }
0xde: {  	v4 =	vadd.s32 v1, v4;
	_ =	sdelay $0x1  }
0xdf: {  	v3 =	vperm.xlane v3, v2;
	_ =	sdelay $0x1  }
0xe0: {  	v3 =	vadd.s32 v1, v3  }
0xe1: {  	[hbm4b:s4+s3] =	stream.indirect_vreg.scatter [tilespmem:s31], [sflag:$0x5], $0x80, v4, vm0, $0x2000b8;
	[tilespmem:$0xC200] =	vst v63  }
0xe2: {  	s19 =	simm.s32 $0x5000  }
0xe3: {  	[hbm4b:s6+s3] =	stream.indirect_vreg.scatter [tilespmem:s19], [sflag:$0x5], $0x80, v4, vm1, $0x2000b8;
	[tilespmem:$0xC200] =	vst v63  }
0xe4: {  	_ = 	snop  }
0xe5: {  	[hbm4b:s4+s3] =	stream.indirect_vreg.scatter [tilespmem:s1], [sflag:$0x5], $0x80, v3, vm0, $0x2000b8;
	[tilespmem:$0xC200] =	vst v63  }
0xe6: {  	_ = 	snop  }
0xe7: {  	[hbm4b:s6+s3] =	stream.indirect_vreg.scatter [tilespmem:s10], [sflag:$0x5], $0x80, v3, vm1, $0x2000b8;
	[tilespmem:$0xC200] =	vst v63  }
0xe8: {  	v3 =	vld [tilespmem:$0xC140];
	_ =	sdelay $0x4  }
0xe9: {  	v60 =	vshrl.u32 v3, $0x3  }
0xea: {  	v4 =	vmul.u32 $0x18, v60  }
0xeb: {  	v3 =	vand.u32 $0x7, v3  }
0xec: {  	v3 =	vor.u32 v3, v4  }
0xed: {  	v4 =	vperm.xlane v3, v0;
	_ =	sdelay $0x1  }
0xee: {  	v4 =	vadd.s32 v1, v4;
	_ =	sdelay $0x1  }
0xef: {  	v3 =	vperm.xlane v3, v2;
	_ =	sdelay $0x1  }
0xf0: {  	v3 =	vadd.s32 v1, v3  }
0xf1: {  	[hbm4b:s4+s3] =	stream.indirect_vreg.scatter [tilespmem:s11], [sflag:$0x5], $0x80, v4, vm0, $0x2000b8;
	[tilespmem:$0xC200] =	vst v63  }
0xf2: {  	_ = 	snop  }
0xf3: {  	[hbm4b:s6+s3] =	stream.indirect_vreg.scatter [tilespmem:s12], [sflag:$0x5], $0x80, v4, vm1, $0x2000b8;
	[tilespmem:$0xC200] =	vst v63  }
0xf4: {  	_ = 	snop  }
0xf5: {  	[hbm4b:s4+s3] =	stream.indirect_vreg.scatter [tilespmem:s13], [sflag:$0x5], $0x80, v3, vm0, $0x2000b8;
	[tilespmem:$0xC200] =	vst v63  }
0xf6: {  	_ = 	snop  }
0xf7: {  	[hbm4b:s6+s3] =	stream.indirect_vreg.scatter [tilespmem:s14], [sflag:$0x5], $0x80, v3, vm1, $0x2000b8;
	[tilespmem:$0xC200] =	vst v63  }
0xf8: {  	v3 =	vld [tilespmem:$0xC150];
	_ =	sdelay $0x4  }
0xf9: {  	v61 =	vshrl.u32 v3, $0x3  }
0xfa: {  	v4 =	vmul.u32 $0x18, v61  }
0xfb: {  	v3 =	vand.u32 $0x7, v3  }
0xfc: {  	v3 =	vor.u32 v3, v4  }
0xfd: {  	v4 =	vperm.xlane v3, v0;
	_ =	sdelay $0x1  }
0xfe: {  	v4 =	vadd.s32 v1, v4;
	_ =	sdelay $0x1  }
0xff: {  	v3 =	vperm.xlane v3, v2;
	_ =	sdelay $0x1  }
0x100: {  	v3 =	vadd.s32 v1, v3  }
0x101: {  	[hbm4b:s4+s3] =	stream.indirect_vreg.scatter [tilespmem:s15], [sflag:$0x5], $0x80, v4, vm0, $0x2000b8;
	[tilespmem:$0xC200] =	vst v63  }
0x102: {  	_ = 	snop  }
0x103: {  	[hbm4b:s6+s3] =	stream.indirect_vreg.scatter [tilespmem:s16], [sflag:$0x5], $0x80, v4, vm1, $0x2000b8;
	[tilespmem:$0xC200] =	vst v63  }
0x104: {  	_ = 	snop  }
0x105: {  	[hbm4b:s4+s3] =	stream.indirect_vreg.scatter [tilespmem:s17], [sflag:$0x5], $0x80, v3, vm0, $0x2000b8;
	[tilespmem:$0xC200] =	vst v63  }
0x106: {  	_ = 	snop  }
0x107: {  	[hbm4b:s6+s3] =	stream.indirect_vreg.scatter [tilespmem:s8], [sflag:$0x5], $0x80, v3, vm1, $0x2000b8;
	[tilespmem:$0xC200] =	vst v63  }
0x108: {  	v3 =	vld [tilespmem:$0xC160];
	_ =	sdelay $0x4  }
0x109: {  	v62 =	vshrl.u32 v3, $0x3  }
0x10a: {  	v4 =	vmul.u32 $0x18, v62  }
0x10b: {  	v3 =	vand.u32 $0x7, v3  }
0x10c: {  	v3 =	vor.u32 v3, v4  }
0x10d: {  	v4 =	vperm.xlane v3, v0;
	_ =	sdelay $0x1  }
0x10e: {  	v4 =	vadd.s32 v1, v4;
	_ =	sdelay $0x1  }
0x10f: {  	v3 =	vperm.xlane v3, v2;
	_ =	sdelay $0x1  }
0x110: {  	v3 =	vadd.s32 v1, v3  }
0x111: {  	[hbm4b:s4+s3] =	stream.indirect_vreg.scatter [tilespmem:s9], [sflag:$0x5], $0x80, v4, vm0, $0x2000b8;
	[tilespmem:$0xC200] =	vst v63  }
0x112: {  	s20 =	simm.s32 $0x9800  }
0x113: {  	[hbm4b:s6+s3] =	stream.indirect_vreg.scatter [tilespmem:s20], [sflag:$0x5], $0x80, v4, vm1, $0x2000b8;
	[tilespmem:$0xC200] =	vst v63  }
0x114: {  	s21 =	simm.s32 $0x9C00  }
0x115: {  	[hbm4b:s4+s3] =	stream.indirect_vreg.scatter [tilespmem:s21], [sflag:$0x5], $0x80, v3, vm0, $0x2000b8;
	[tilespmem:$0xC200] =	vst v63  }
0x116: {  	s22 =	simm.s32 $0xA400  }
0x117: {  	[hbm4b:s6+s3] =	stream.indirect_vreg.scatter [tilespmem:s22], [sflag:$0x5], $0x80, v3, vm1, $0x2000b8;
	[tilespmem:$0xC200] =	vst v63  }
0x118: {  	v3 =	vld [tilespmem:$0xC170];
	_ =	sdelay $0x4  }
0x119: {  	v63 =	vshrl.u32 v3, $0x3  }
0x11a: {  	v4 =	vmul.u32 $0x18, v63  }
0x11b: {  	v3 =	vand.u32 $0x7, v3  }
0x11c: {  	v3 =	vor.u32 v3, v4  }
0x11d: {  	v4 =	vperm.xlane v3, v0;
	_ =	sdelay $0x1  }
0x11e: {  	v4 =	vadd.s32 v1, v4;
	_ =	sdelay $0x1  }
0x11f: {  	v3 =	vperm.xlane v3, v2;
	_ =	sdelay $0x1  }
0x120: {  	s19 =	simm.s32 $0xA800;
	v3 =	vadd.s32 v1, v3  }
0x121: {  	[hbm4b:s4+s3] =	stream.indirect_vreg.scatter [tilespmem:s19], [sflag:$0x5], $0x80, v4, vm0, $0x2000b8;
	[tilespmem:$0xC200] =	vst v63  }
0x122: {  	s20 =	simm.s32 $0xB000  }
0x123: {  	[hbm4b:s6+s3] =	stream.indirect_vreg.scatter [tilespmem:s20], [sflag:$0x5], $0x80, v4, vm1, $0x2000b8;
	[tilespmem:$0xC200] =	vst v63  }
0x124: {  	s21 =	simm.s32 $0xB400  }
0x125: {  	[hbm4b:s4+s3] =	stream.indirect_vreg.scatter [tilespmem:s21], [sflag:$0x5], $0x80, v3, vm0, $0x2000b8;
	[tilespmem:$0xC200] =	vst v63  }
0x126: {  	p0 =	sne.s32 s7, $0x1;
	s22 =	simm.s32 $0xBC00  }
0x127: {  	[hbm4b:s6+s3] =	stream.indirect_vreg.scatter [tilespmem:s22], [sflag:$0x5], $0x80, v3, vm1, $0x2000b8;
	[tilespmem:$0xC200] =	vst v63  }
.Ltmp0:
0x128: {  	_ = 	snop;
	(pc) =	sbr.rel @p0 .LBB2_1-.Ltmp0, $4  }
0x129: {  	_ =	swait.ge [sflag:s18], $0xC000  }
0x12a: {  	[sflag:s18] =	ssyncset.done $0x0  }
0x12b: {  	[sflag:s18] =	ssyncadd.s32 $0xFFFF4000  }
0x12c: {  	s7 =	sadd.s32 $0xFFFFFFFF, s7;
	_ =	strace $0x9000004B  }
0x12d: {  	_ =	sfence.sel $0x180000  }
0x12e: {  	[bflag:$0x0] =	sbarrier.arrive $0xFFFF  }
0x12f: {  	_ =	strace $0x90000047  }
0x130: {  	s0 =	stileid.u32;
	[bflag:$0x2] =	sbarrier.arrive $0xFFFF  }
0x131: {  	p0 =	sne.s32 s0, $0x0;
	s0 =	rddreg [dreg:$0x2]  }
0x132: {  	s0 =	sadd.s32 @!p0 $0x100000, s0  }
0x133: {  	[sflag:s0] =	ssyncadd.tile.s32 @!p0 $0x1;
	_ =	shalt  }
.Lfunc_end2:
_tile_overlayer_lowered:
.L_overlay_start_2:
0x134: {  	(tag) =	ssettag $0x2  }
0x135: {  	s0 =	rddreg [dreg:$0x0];
	s2 =	stileid.u32  }
0x136: {  	s1 =	rddreg [dreg:$0x1];
	p0 =	sne.s32 s2, $0x0  }
0x137: {  	s3 =	rddreg [dreg:$0x2];
	[bflag:$0x3] =	sbarrier.arrive $0xFFFF;
	s2 =	simm.s32 @!p0 $0x1C01  }
0x138: {  	[timem:s3], [sflag:s2] =	dma.local @!p0 [hbm:s0], s1  }
0x139: {  	s0 =	simm.s32 @!p0 $0x1  }
0x13a: {  	_ =	swait.ge @!p0 [sflag:s0], s1  }
0x13b: {  	s1 =	ssub.s32 @!p0 $0x0, s1;
	[sflag:s0] =	ssyncset.done @!p0 $0x0  }
0x13c: {  	[sflag:s0] =	ssyncadd.s32 @!p0 s1  }
0x13d: {  	[bflag:$0x3] =	sbarrier.arrive $0xFFFF  }
0x13e: {  	_ =	shalt  }

</sc_bundles>
